<compile_context>
chip_gen: v7x
topology: tpu7x:2x2x1
jax: 0.10.2.dev20260603
libtpu: 0.0.44.dev20260713+nightly
codegen_flags: <defaults>
</compile_context>

<pallas_src>
import functools

import jax
import jax.numpy as jnp
from jax import lax
from jax.experimental import pallas as pl
from jax.experimental.pallas import tpu as pltpu
from jax.experimental.pallas import tpu_sc as plsc

_NN = 10000
_NE = 320000
_D = 128
_NC = 2
_NS = 16
_EPT = _NE // _NS
_C = 80
_CH = _EPT // _C
_RB = 624
_RTAIL = _NN - _NS * _RB


def _proj_body(h_ref, wa_ref, wb_ref, a_ref, b_ref):
    hb = h_ref[...]
    a_ref[...] = jnp.dot(hb, wa_ref[...], preferred_element_type=jnp.float32)
    b_ref[...] = jnp.dot(hb, wb_ref[...], preferred_element_type=jnp.float32)


def _proj(h, wa, wb):
    blk = 1000
    return pl.pallas_call(
        _proj_body,
        grid=(_NN // blk,),
        in_specs=[
            pl.BlockSpec((blk, _D), lambda i: (i, 0)),
            pl.BlockSpec((_D, _D), lambda i: (0, 0)),
            pl.BlockSpec((_D, _D), lambda i: (0, 0)),
        ],
        out_specs=[
            pl.BlockSpec((blk, _D), lambda i: (i, 0)),
            pl.BlockSpec((blk, _D), lambda i: (i, 0)),
        ],
        out_shape=[
            jax.ShapeDtypeStruct((_NN, _D), jnp.float32),
            jax.ShapeDtypeStruct((_NN, _D), jnp.float32),
        ],
    )(h, wa, wb)


def _ebias_body(attr_ref, we_ref, be_ref, e_ref):
    e_ref[...] = (
        jnp.dot(attr_ref[...], we_ref[...], preferred_element_type=jnp.float32)
        + be_ref[...]
    )


def _ebias(attr, wec, be1):
    blk = 2000
    return pl.pallas_call(
        _ebias_body,
        grid=(_NE // blk,),
        in_specs=[
            pl.BlockSpec((blk, 16), lambda i: (i, 0)),
            pl.BlockSpec((16, _D), lambda i: (0, 0)),
            pl.BlockSpec((1, _D), lambda i: (0, 0)),
        ],
        out_specs=pl.BlockSpec((blk, _D), lambda i: (i, 0)),
        out_shape=jax.ShapeDtypeStruct((_NE, _D), jnp.float32),
    )(attr, wec, be1)


def _sc_body(a_hbm, b_hbm, e_hbm, src_hbm, dst_hbm, z2_hbm, z1_hbm, on_hbm,
             s2_out, c2_out,
             sidx, didx, abuf, bbuf, ebuf, ones_v, zcnt,
             s_acc, c_acc, sem_a, sem_b, sem_e):
    s = lax.axis_index("s")
    wid = s
    tid = s

    base_r = tid * _RB
    pltpu.sync_copy(on_hbm, ones_v)
    pltpu.sync_copy(z1_hbm, zcnt)
    pltpu.sync_copy(z2_hbm, s_acc.at[pl.ds(base_r, _RB)])
    pltpu.sync_copy(zcnt, c_acc.at[pl.ds(base_r, _RB)])

    @pl.when(tid == _NS - 1)
    def _zero_tail():
        pltpu.sync_copy(z2_hbm.at[pl.ds(0, _RTAIL)],
                        s_acc.at[pl.ds(_NS * _RB, _RTAIL)])
        pltpu.sync_copy(zcnt.at[pl.ds(0, _RTAIL)],
                        c_acc.at[pl.ds(_NS * _RB, _RTAIL)])
    plsc.subcore_barrier()

    def _chunk(k, _):
        base = pl.multiple_of(wid * _EPT + k * _C, 8)
        pltpu.sync_copy(src_hbm.at[pl.ds(base, _C)], sidx)
        pltpu.sync_copy(dst_hbm.at[pl.ds(base, _C)], didx)
        ca = pltpu.async_copy(a_hbm.at[sidx], abuf, sem_a)
        cb = pltpu.async_copy(b_hbm.at[didx], bbuf, sem_b)
        ce = pltpu.async_copy(e_hbm.at[pl.ds(base, _C)], ebuf, sem_e)
        ca.wait()
        cb.wait()
        ce.wait()

        def _row(i, _):
            for j in range(_D // 16):
                sl = pl.ds(j * 16, 16)
                abuf[i, sl] = jnp.maximum(
                    abuf[i, sl] + bbuf[i, sl] + ebuf[i, sl], 0.0)
            return _
        lax.fori_loop(0, _C, _row, None)

        pltpu.sync_copy(abuf, s_acc.at[didx], add=True)
        pltpu.sync_copy(ones_v, c_acc.at[didx], add=True)
        return _
    lax.fori_loop(0, _CH, _chunk, None)

    plsc.subcore_barrier()

    rows = pl.ds(base_r, _RB)
    pltpu.sync_copy(s_acc.at[rows], s2_out.at[rows])
    pltpu.sync_copy(c_acc.at[rows], zcnt)
    pltpu.sync_copy(zcnt, c2_out.at[pl.ds(base_r, _RB)])

    @pl.when(tid == _NS - 1)
    def _write_tail():
        tail = pl.ds(_NS * _RB, _RTAIL)
        pltpu.sync_copy(s_acc.at[tail], s2_out.at[tail])
        pltpu.sync_copy(c_acc.at[tail], zcnt.at[pl.ds(0, _RTAIL)])
        pltpu.sync_copy(zcnt.at[pl.ds(0, _RTAIL)],
                        c2_out.at[pl.ds(_NS * _RB, _RTAIL)])


_sc_agg = pl.kernel(
    _sc_body,
    out_type=(
        jax.ShapeDtypeStruct((_NN, _D), jnp.float32),
        jax.ShapeDtypeStruct((_NN,), jnp.float32),
    ),
    mesh=plsc.VectorSubcoreMesh(
        core_axis_name="c", subcore_axis_name="s",
        num_cores=1, num_subcores=_NS),
    scratch_types=[
        pltpu.VMEM((_C,), jnp.int32),
        pltpu.VMEM((_C,), jnp.int32),
        pltpu.VMEM((_C, _D), jnp.float32),
        pltpu.VMEM((_C, _D), jnp.float32),
        pltpu.VMEM((_C, _D), jnp.float32),
        pltpu.VMEM((_C,), jnp.float32),
        pltpu.VMEM((_RB,), jnp.float32),
        pltpu.VMEM_SHARED((_NN, _D), jnp.float32),
        pltpu.VMEM_SHARED((_NN,), jnp.float32),
        pltpu.SemaphoreType.DMA,
        pltpu.SemaphoreType.DMA,
        pltpu.SemaphoreType.DMA,
    ],
)


def _node_body(s_ref, c_ref, h_ref, we2_ref, be2_ref,
               wh1a_ref, wh1b_ref, bh1_ref, wh2_ref, bh2_ref, o_ref):
    S = s_ref[...]
    cnt = c_ref[...]
    m = (jnp.dot(S, we2_ref[...], preferred_element_type=jnp.float32)
         + cnt * be2_ref[...])
    u = jnp.maximum(
        jnp.dot(h_ref[...], wh1a_ref[...], preferred_element_type=jnp.float32)
        + jnp.dot(m, wh1b_ref[...], preferred_element_type=jnp.float32)
        + bh1_ref[...], 0.0)
    o_ref[...] = (jnp.dot(u, wh2_ref[...], preferred_element_type=jnp.float32)
                  + bh2_ref[...])


def _node(s, cnt, h, we2, be2, wh1a, wh1b, bh1, wh2, bh2):
    blk = 1000
    nblk = _NN // blk
    full = lambda i: (0, 0)
    return pl.pallas_call(
        _node_body,
        grid=(nblk,),
        in_specs=[
            pl.BlockSpec((blk, _D), lambda i: (i, 0)),
            pl.BlockSpec((blk, 1), lambda i: (i, 0)),
            pl.BlockSpec((blk, _D), lambda i: (i, 0)),
            pl.BlockSpec((_D, _D), full),
            pl.BlockSpec((1, _D), full),
            pl.BlockSpec((_D, _D), full),
            pl.BlockSpec((_D, _D), full),
            pl.BlockSpec((1, _D), full),
            pl.BlockSpec((_D, _D), full),
            pl.BlockSpec((1, _D), full),
        ],
        out_specs=pl.BlockSpec((blk, _D), lambda i: (i, 0)),
        out_shape=jax.ShapeDtypeStruct((_NN, _D), jnp.float32),
    )(s, cnt, h, we2, be2, wh1a, wh1b, bh1, wh2, bh2)


def kernel(h, edge_index, edge_attr, We1, be1, We2, be2, Wh1, bh1, Wh2, bh2):
    src = edge_index[0].astype(jnp.int32)
    dst = edge_index[1].astype(jnp.int32)
    A, B = _proj(h, We1[0:_D], We1[_D:2 * _D])
    E = _ebias(edge_attr, We1[2 * _D:], be1.reshape(1, _D))
    z2 = jnp.zeros((_RB, _D), jnp.float32)
    z1 = jnp.zeros((_RB,), jnp.float32)
    on = jnp.ones((_C,), jnp.float32)
    S2, C2 = _sc_agg(A, B, E, src, dst, z2, z1, on)
    return _node(S2, C2.reshape(_NN, 1), h, We2, be2.reshape(1, _D),
                 Wh1[0:_D], Wh1[_D:], bh1.reshape(1, _D),
                 Wh2, bh2.reshape(1, _D))

# --- scband reference (transcript-rebuilt; emitter-appended) ---
"""Pipeline reference for scband-gnnlayer-72138270704315 (READ-ONLY COPY).

The authoritative reference and input builder live on the scoring server;
editing this copy changes nothing except your own understanding.
"""

import jax, jax.numpy as jnp
import numpy as np

N_NODES = 10000
N_EDGES = 320000
NODE_DIM = 128
EDGE_DIM = 16
HIDDEN = 128
OUT = 128

def _linear_init(key, fan_in, fan_out):
    k1, k2 = jax.random.split(key)
    bound = 1.0 / np.sqrt(fan_in)
    W = jax.random.uniform(k1, (fan_in, fan_out), minval=-bound, maxval=bound, dtype=jnp.float32)
    b = jax.random.uniform(k2, (fan_out,), minval=-bound, maxval=bound, dtype=jnp.float32)
    return W, b

def setup_inputs(seed: int = 0) -> dict:
    key = jax.random.key(seed)
    ks = jax.random.split(key, 7)
    h = jax.random.normal(ks[0], (N_NODES, NODE_DIM), dtype=jnp.float32)
    edge_index = jax.random.randint(ks[1], (2, N_EDGES), 0, N_NODES, dtype=jnp.int64 if jax.config.jax_enable_x64 else jnp.int32)
    edge_attr = jax.random.normal(ks[2], (N_EDGES, EDGE_DIM), dtype=jnp.float32)
    We1, be1 = _linear_init(ks[3], 2 * NODE_DIM + EDGE_DIM, HIDDEN)
    We2, be2 = _linear_init(ks[4], HIDDEN, HIDDEN)
    Wh1, bh1 = _linear_init(ks[5], NODE_DIM + HIDDEN, HIDDEN)
    Wh2, bh2 = _linear_init(ks[6], HIDDEN, OUT)
    return {"h": h, "edge_index": edge_index, "edge_attr": edge_attr,
            "We1": We1, "be1": be1, "We2": We2, "be2": be2,
            "Wh1": Wh1, "bh1": bh1, "Wh2": Wh2, "bh2": bh2}

def reference(h, edge_index, edge_attr, We1, be1, We2, be2, Wh1, bh1, Wh2, bh2):
    src = edge_index[0]
    dst = edge_index[1]
    h_i = jnp.take(h, src, axis=0)
    h_j = jnp.take(h, dst, axis=0)
    edge_input = jnp.concatenate([h_i, h_j, edge_attr], axis=-1)
    m_ij = jax.nn.relu(edge_input @ We1 + be1) @ We2 + be2
    m_i = jax.ops.segment_sum(m_ij, dst, num_segments=h.shape[0])
    node_input = jnp.concatenate([h, m_i], axis=-1)
    h_next = jax.nn.relu(node_input @ Wh1 + bh1) @ Wh2 + bh2
    return h_next

if __name__ == "__main__":
    import jax
    _d = setup_inputs()
    print(jax.jit(kernel)(*tuple(_d.values())))

</pallas_src>

<mosaic_0001>
#map = affine_map<(d0, d1) -> (0, 0)>
#map1 = affine_map<(d0, d1) -> (0)>
module attributes {stable_mosaic.version = 14 : i64} {
  func.func @_sc_body(%arg0: i32, %arg1: i32, %arg2: memref<10000x128xf32, #tpu.memory_space<hbm>>, %arg3: memref<10000x128xf32, #tpu.memory_space<hbm>>, %arg4: memref<320000x128xf32, #tpu.memory_space<hbm>>, %arg5: memref<320000xi32, #tpu.memory_space<hbm>>, %arg6: memref<320000xi32, #tpu.memory_space<hbm>>, %arg7: memref<624x128xf32, #tpu.memory_space<hbm>>, %arg8: memref<624xf32, #tpu.memory_space<hbm>>, %arg9: memref<80xf32, #tpu.memory_space<hbm>>, %arg10: memref<10000x128xf32, #tpu.memory_space<hbm>>, %arg11: memref<10000xf32, #tpu.memory_space<hbm>>, %arg12: memref<80xi32, #tpu.memory_space<vmem>>, %arg13: memref<80xi32, #tpu.memory_space<vmem>>, %arg14: memref<80x128xf32, #tpu.memory_space<vmem>>, %arg15: memref<80x128xf32, #tpu.memory_space<vmem>>, %arg16: memref<80x128xf32, #tpu.memory_space<vmem>>, %arg17: memref<80xf32, #tpu.memory_space<vmem>>, %arg18: memref<624xf32, #tpu.memory_space<vmem>>, %arg19: memref<10000x128xf32, #tpu.memory_space<vmem_shared>>, %arg20: memref<10000xf32, #tpu.memory_space<vmem_shared>>, %arg21: memref<!tpu.dma_semaphore, #tpu.memory_space<semaphore_mem>>, %arg22: memref<!tpu.dma_semaphore, #tpu.memory_space<semaphore_mem>>, %arg23: memref<!tpu.dma_semaphore, #tpu.memory_space<semaphore_mem>>) attributes {dimension_semantics = [#tpu.dimension_semantics<core_parallel>, #tpu.dimension_semantics<subcore_parallel>], iteration_bounds = array<i64: 1, 16>, scalar_prefetch = 0 : i64, scratch_operands = 12 : i64, tpu.core_type = #tpu.core_type<sc_vector_subcore>, window_params = [{transform_indices = #map}, {transform_indices = #map}, {transform_indices = #map}, {transform_indices = #map1}, {transform_indices = #map1}, {transform_indices = #map}, {transform_indices = #map1}, {transform_indices = #map1}, {transform_indices = #map}, {transform_indices = #map1}]} {
    %mul3A = arith.constant 624 : i32
    %mul3A_0 = arith.muli %arg1, %mul3A : i32
    "tpu.region"() ({
      %run_scoped3A = tpu.sem_alloc : memref<!tpu.dma_semaphore, #tpu.memory_space<semaphore_mem>>
      tpu.enqueue_dma source(%arg9 : memref<80xf32, #tpu.memory_space<hbm>>) target(%arg17 : memref<80xf32, #tpu.memory_space<vmem>>) target_semaphore(%run_scoped3A : memref<!tpu.dma_semaphore, #tpu.memory_space<semaphore_mem>>)
      tpu.wait_dma2 semaphore(%run_scoped3A : memref<!tpu.dma_semaphore, #tpu.memory_space<semaphore_mem>>) src(%arg9 : memref<80xf32, #tpu.memory_space<hbm>>) dst(%arg17 : memref<80xf32, #tpu.memory_space<vmem>>)
      tpu.yield
    }) : () -> ()
    "tpu.region"() ({
      %run_scoped3A = tpu.sem_alloc : memref<!tpu.dma_semaphore, #tpu.memory_space<semaphore_mem>>
      tpu.enqueue_dma source(%arg8 : memref<624xf32, #tpu.memory_space<hbm>>) target(%arg18 : memref<624xf32, #tpu.memory_space<vmem>>) target_semaphore(%run_scoped3A : memref<!tpu.dma_semaphore, #tpu.memory_space<semaphore_mem>>)
      tpu.wait_dma2 semaphore(%run_scoped3A : memref<!tpu.dma_semaphore, #tpu.memory_space<semaphore_mem>>) src(%arg8 : memref<624xf32, #tpu.memory_space<hbm>>) dst(%arg18 : memref<624xf32, #tpu.memory_space<vmem>>)
      tpu.yield
    }) : () -> ()
    "tpu.region"() ({
      %run_scoped3A = tpu.sem_alloc : memref<!tpu.dma_semaphore, #tpu.memory_space<semaphore_mem>>
      %dma_start3A = arith.constant 0 : i32
      %dma_start3A_13 = tpu.memref_slice %arg19[%mul3A_0, %dma_start3A] : memref<10000x128xf32, #tpu.memory_space<vmem_shared>> -> memref<624x128xf32, #tpu.memory_space<vmem_shared>>
      tpu.enqueue_dma source(%arg7 : memref<624x128xf32, #tpu.memory_space<hbm>>) target(%dma_start3A_13 : memref<624x128xf32, #tpu.memory_space<vmem_shared>>) target_semaphore(%run_scoped3A : memref<!tpu.dma_semaphore, #tpu.memory_space<semaphore_mem>>)
      %dma_wait3A = arith.constant 0 : i32
      %dma_wait3A_14 = tpu.memref_slice %arg19[%mul3A_0, %dma_wait3A] : memref<10000x128xf32, #tpu.memory_space<vmem_shared>> -> memref<624x128xf32, #tpu.memory_space<vmem_shared>>
      tpu.wait_dma2 semaphore(%run_scoped3A : memref<!tpu.dma_semaphore, #tpu.memory_space<semaphore_mem>>) src(%arg7 : memref<624x128xf32, #tpu.memory_space<hbm>>) dst(%dma_wait3A_14 : memref<624x128xf32, #tpu.memory_space<vmem_shared>>)
      tpu.yield
    }) : () -> ()
    "tpu.region"() ({
      %run_scoped3A = tpu.sem_alloc : memref<!tpu.dma_semaphore, #tpu.memory_space<semaphore_mem>>
      %dma_start3A = tpu.memref_slice %arg20[%mul3A_0] : memref<10000xf32, #tpu.memory_space<vmem_shared>> -> memref<624xf32, #tpu.memory_space<vmem_shared>>
      %dma_start3A_13 = tpu.memref_slice %arg20[%mul3A_0] : memref<10000xf32, #tpu.memory_space<vmem_shared>> -> memref<624xf32, #tpu.memory_space<vmem_shared>>
      tpu.enqueue_dma source(%arg18 : memref<624xf32, #tpu.memory_space<vmem>>) target(%dma_start3A_13 : memref<624xf32, #tpu.memory_space<vmem_shared>>) target_semaphore(%run_scoped3A : memref<!tpu.dma_semaphore, #tpu.memory_space<semaphore_mem>>)
      %dma_wait3A = tpu.memref_slice %arg20[%mul3A_0] : memref<10000xf32, #tpu.memory_space<vmem_shared>> -> memref<624xf32, #tpu.memory_space<vmem_shared>>
      %dma_wait3A_14 = tpu.memref_slice %arg20[%mul3A_0] : memref<10000xf32, #tpu.memory_space<vmem_shared>> -> memref<624xf32, #tpu.memory_space<vmem_shared>>
      tpu.wait_dma2 semaphore(%run_scoped3A : memref<!tpu.dma_semaphore, #tpu.memory_space<semaphore_mem>>) src(%arg18 : memref<624xf32, #tpu.memory_space<vmem>>) dst(%dma_wait3A_14 : memref<624xf32, #tpu.memory_space<vmem_shared>>)
      tpu.yield
    }) : () -> ()
    %eq3A = arith.constant 15 : i32
    %eq3A_1 = arith.cmpi eq, %arg1, %eq3A : i32
    %convert_element_type3A = arith.extui %eq3A_1 : i1 to i32
    %cond3A = arith.constant 0 : i32
    %cond3A_2 = arith.cmpi ne, %convert_element_type3A, %cond3A : i32
    scf.if %cond3A_2 {
      "tpu.region"() ({
        %run_scoped3A = tpu.sem_alloc : memref<!tpu.dma_semaphore, #tpu.memory_space<semaphore_mem>>
        %dma_start3A = arith.constant 9984 : i32
        %dma_start3A_13 = arith.constant 0 : i32
        %dma_start3A_14 = tpu.memref_slice %arg19[%dma_start3A, %dma_start3A_13] : memref<10000x128xf32, #tpu.memory_space<vmem_shared>> -> memref<16x128xf32, #tpu.memory_space<vmem_shared>>
        %dma_start3A_15 = arith.constant 0 : i32
        %dma_start3A_16 = arith.constant 0 : i32
        %dma_start3A_17 = tpu.memref_slice %arg7[%dma_start3A_15, %dma_start3A_16] : memref<624x128xf32, #tpu.memory_space<hbm>> -> memref<16x128xf32, #tpu.memory_space<hbm>>
        tpu.enqueue_dma source(%dma_start3A_17 : memref<16x128xf32, #tpu.memory_space<hbm>>) target(%dma_start3A_14 : memref<16x128xf32, #tpu.memory_space<vmem_shared>>) target_semaphore(%run_scoped3A : memref<!tpu.dma_semaphore, #tpu.memory_space<semaphore_mem>>)
        %dma_wait3A = arith.constant 9984 : i32
        %dma_wait3A_18 = arith.constant 0 : i32
        %dma_wait3A_19 = tpu.memref_slice %arg19[%dma_wait3A, %dma_wait3A_18] : memref<10000x128xf32, #tpu.memory_space<vmem_shared>> -> memref<16x128xf32, #tpu.memory_space<vmem_shared>>
        %dma_wait3A_20 = arith.constant 0 : i32
        %dma_wait3A_21 = arith.constant 0 : i32
        %dma_wait3A_22 = tpu.memref_slice %arg7[%dma_wait3A_20, %dma_wait3A_21] : memref<624x128xf32, #tpu.memory_space<hbm>> -> memref<16x128xf32, #tpu.memory_space<hbm>>
        tpu.wait_dma2 semaphore(%run_scoped3A : memref<!tpu.dma_semaphore, #tpu.memory_space<semaphore_mem>>) src(%dma_wait3A_22 : memref<16x128xf32, #tpu.memory_space<hbm>>) dst(%dma_wait3A_19 : memref<16x128xf32, #tpu.memory_space<vmem_shared>>)
        tpu.yield
      }) : () -> ()
      "tpu.region"() ({
        %run_scoped3A = tpu.sem_alloc : memref<!tpu.dma_semaphore, #tpu.memory_space<semaphore_mem>>
        %dma_start3A = arith.constant 0 : i32
        %dma_start3A_13 = tpu.memref_slice %arg18[%dma_start3A] : memref<624xf32, #tpu.memory_space<vmem>> -> memref<16xf32, #tpu.memory_space<vmem>>
        %dma_start3A_14 = arith.constant 9984 : i32
        %dma_start3A_15 = tpu.memref_slice %arg20[%dma_start3A_14] : memref<10000xf32, #tpu.memory_space<vmem_shared>> -> memref<16xf32, #tpu.memory_space<vmem_shared>>
        %dma_start3A_16 = arith.constant 9984 : i32
        %dma_start3A_17 = tpu.memref_slice %arg20[%dma_start3A_16] : memref<10000xf32, #tpu.memory_space<vmem_shared>> -> memref<16xf32, #tpu.memory_space<vmem_shared>>
        %dma_start3A_18 = arith.constant 0 : i32
        %dma_start3A_19 = tpu.memref_slice %arg18[%dma_start3A_18] : memref<624xf32, #tpu.memory_space<vmem>> -> memref<16xf32, #tpu.memory_space<vmem>>
        tpu.enqueue_dma source(%dma_start3A_19 : memref<16xf32, #tpu.memory_space<vmem>>) target(%dma_start3A_17 : memref<16xf32, #tpu.memory_space<vmem_shared>>) target_semaphore(%run_scoped3A : memref<!tpu.dma_semaphore, #tpu.memory_space<semaphore_mem>>)
        %dma_wait3A = arith.constant 0 : i32
        %dma_wait3A_20 = tpu.memref_slice %arg18[%dma_wait3A] : memref<624xf32, #tpu.memory_space<vmem>> -> memref<16xf32, #tpu.memory_space<vmem>>
        %dma_wait3A_21 = arith.constant 9984 : i32
        %dma_wait3A_22 = tpu.memref_slice %arg20[%dma_wait3A_21] : memref<10000xf32, #tpu.memory_space<vmem_shared>> -> memref<16xf32, #tpu.memory_space<vmem_shared>>
        %dma_wait3A_23 = arith.constant 9984 : i32
        %dma_wait3A_24 = tpu.memref_slice %arg20[%dma_wait3A_23] : memref<10000xf32, #tpu.memory_space<vmem_shared>> -> memref<16xf32, #tpu.memory_space<vmem_shared>>
        %dma_wait3A_25 = arith.constant 0 : i32
        %dma_wait3A_26 = tpu.memref_slice %arg18[%dma_wait3A_25] : memref<624xf32, #tpu.memory_space<vmem>> -> memref<16xf32, #tpu.memory_space<vmem>>
        tpu.wait_dma2 semaphore(%run_scoped3A : memref<!tpu.dma_semaphore, #tpu.memory_space<semaphore_mem>>) src(%dma_wait3A_26 : memref<16xf32, #tpu.memory_space<vmem>>) dst(%dma_wait3A_24 : memref<16xf32, #tpu.memory_space<vmem_shared>>)
        tpu.yield
      }) : () -> ()
    } else {
    }
    %barrier3A = arith.constant 0 : index
    tpu.barrier barrier_id(%barrier3A)
    %scan3A = arith.constant 0 : i32
    %scan3A_3 = arith.constant 250 : i32
    %scan3A_4 = arith.addi %scan3A, %scan3A_3 : i32
    %scan3A_5 = arith.constant 1 : i32
    scf.for %scan3A_13 = %scan3A to %scan3A_4 step %scan3A_5  : i32 {
      %mul3A_14 = arith.constant 20000 : i32
      %mul3A_15 = arith.muli %arg1, %mul3A_14 : i32
      %mul3A_16 = arith.constant 80 : i32
      %mul3A_17 = arith.muli %scan3A_13, %mul3A_16 : i32
      %add3A = arith.addi %mul3A_15, %mul3A_17 : i32
      %multiple_of3A = tpu.assume_multiple %add3A, 8 : i32
      "tpu.region"() ({
        %run_scoped3A = tpu.sem_alloc : memref<!tpu.dma_semaphore, #tpu.memory_space<semaphore_mem>>
        %dma_start3A_41 = tpu.memref_slice %arg5[%multiple_of3A] : memref<320000xi32, #tpu.memory_space<hbm>> -> memref<80xi32, #tpu.memory_space<hbm>>
        %dma_start3A_42 = tpu.memref_slice %arg5[%multiple_of3A] : memref<320000xi32, #tpu.memory_space<hbm>> -> memref<80xi32, #tpu.memory_space<hbm>>
        tpu.enqueue_dma source(%dma_start3A_42 : memref<80xi32, #tpu.memory_space<hbm>>) target(%arg12 : memref<80xi32, #tpu.memory_space<vmem>>) target_semaphore(%run_scoped3A : memref<!tpu.dma_semaphore, #tpu.memory_space<semaphore_mem>>)
        %dma_wait3A_43 = tpu.memref_slice %arg5[%multiple_of3A] : memref<320000xi32, #tpu.memory_space<hbm>> -> memref<80xi32, #tpu.memory_space<hbm>>
        %dma_wait3A_44 = tpu.memref_slice %arg5[%multiple_of3A] : memref<320000xi32, #tpu.memory_space<hbm>> -> memref<80xi32, #tpu.memory_space<hbm>>
        tpu.wait_dma2 semaphore(%run_scoped3A : memref<!tpu.dma_semaphore, #tpu.memory_space<semaphore_mem>>) src(%dma_wait3A_44 : memref<80xi32, #tpu.memory_space<hbm>>) dst(%arg12 : memref<80xi32, #tpu.memory_space<vmem>>)
        tpu.yield
      }) : () -> ()
      "tpu.region"() ({
        %run_scoped3A = tpu.sem_alloc : memref<!tpu.dma_semaphore, #tpu.memory_space<semaphore_mem>>
        %dma_start3A_41 = tpu.memref_slice %arg6[%multiple_of3A] : memref<320000xi32, #tpu.memory_space<hbm>> -> memref<80xi32, #tpu.memory_space<hbm>>
        %dma_start3A_42 = tpu.memref_slice %arg6[%multiple_of3A] : memref<320000xi32, #tpu.memory_space<hbm>> -> memref<80xi32, #tpu.memory_space<hbm>>
        tpu.enqueue_dma source(%dma_start3A_42 : memref<80xi32, #tpu.memory_space<hbm>>) target(%arg13 : memref<80xi32, #tpu.memory_space<vmem>>) target_semaphore(%run_scoped3A : memref<!tpu.dma_semaphore, #tpu.memory_space<semaphore_mem>>)
        %dma_wait3A_43 = tpu.memref_slice %arg6[%multiple_of3A] : memref<320000xi32, #tpu.memory_space<hbm>> -> memref<80xi32, #tpu.memory_space<hbm>>
        %dma_wait3A_44 = tpu.memref_slice %arg6[%multiple_of3A] : memref<320000xi32, #tpu.memory_space<hbm>> -> memref<80xi32, #tpu.memory_space<hbm>>
        tpu.wait_dma2 semaphore(%run_scoped3A : memref<!tpu.dma_semaphore, #tpu.memory_space<semaphore_mem>>) src(%dma_wait3A_44 : memref<80xi32, #tpu.memory_space<hbm>>) dst(%arg13 : memref<80xi32, #tpu.memory_space<vmem>>)
        tpu.yield
      }) : () -> ()
      %dma_start3A = arith.constant 0 : i32
      %dma_start3A_18 = arith.constant 0 : i32
      %dma_start3A_19 = tpu.memref_slice %arg2[%dma_start3A, %dma_start3A_18] : memref<10000x128xf32, #tpu.memory_space<hbm>> -> memref<10000x128xf32, #tpu.memory_space<hbm>>
      tpu.enqueue_indirect_dma source(%dma_start3A_19 : memref<10000x128xf32, #tpu.memory_space<hbm>>) target(%arg14 : memref<80x128xf32, #tpu.memory_space<vmem>>) offsets(%arg12 : memref<80xi32, #tpu.memory_space<vmem>>) semaphore(%arg21 : memref<!tpu.dma_semaphore, #tpu.memory_space<semaphore_mem>>)
      %dma_start3A_20 = arith.constant 0 : i32
      %dma_start3A_21 = arith.constant 0 : i32
      %dma_start3A_22 = tpu.memref_slice %arg3[%dma_start3A_20, %dma_start3A_21] : memref<10000x128xf32, #tpu.memory_space<hbm>> -> memref<10000x128xf32, #tpu.memory_space<hbm>>
      tpu.enqueue_indirect_dma source(%dma_start3A_22 : memref<10000x128xf32, #tpu.memory_space<hbm>>) target(%arg15 : memref<80x128xf32, #tpu.memory_space<vmem>>) offsets(%arg13 : memref<80xi32, #tpu.memory_space<vmem>>) semaphore(%arg22 : memref<!tpu.dma_semaphore, #tpu.memory_space<semaphore_mem>>)
      %dma_start3A_23 = arith.constant 0 : i32
      %dma_start3A_24 = tpu.memref_slice %arg4[%multiple_of3A, %dma_start3A_23] : memref<320000x128xf32, #tpu.memory_space<hbm>> -> memref<80x128xf32, #tpu.memory_space<hbm>>
      %dma_start3A_25 = arith.constant 0 : i32
      %dma_start3A_26 = tpu.memref_slice %arg4[%multiple_of3A, %dma_start3A_25] : memref<320000x128xf32, #tpu.memory_space<hbm>> -> memref<80x128xf32, #tpu.memory_space<hbm>>
      tpu.enqueue_dma source(%dma_start3A_26 : memref<80x128xf32, #tpu.memory_space<hbm>>) target(%arg16 : memref<80x128xf32, #tpu.memory_space<vmem>>) target_semaphore(%arg23 : memref<!tpu.dma_semaphore, #tpu.memory_space<semaphore_mem>>)
      %dma_wait3A = arith.constant 0 : i32
      %dma_wait3A_27 = arith.constant 0 : i32
      %dma_wait3A_28 = tpu.memref_slice %arg2[%dma_wait3A, %dma_wait3A_27] : memref<10000x128xf32, #tpu.memory_space<hbm>> -> memref<10000x128xf32, #tpu.memory_space<hbm>>
      tpu.wait_indirect_dma semaphore(%arg21 : memref<!tpu.dma_semaphore, #tpu.memory_space<semaphore_mem>>) src(%dma_wait3A_28 : memref<10000x128xf32, #tpu.memory_space<hbm>>) dst(%arg14 : memref<80x128xf32, #tpu.memory_space<vmem>>)
      %dma_wait3A_29 = arith.constant 0 : i32
      %dma_wait3A_30 = arith.constant 0 : i32
      %dma_wait3A_31 = tpu.memref_slice %arg3[%dma_wait3A_29, %dma_wait3A_30] : memref<10000x128xf32, #tpu.memory_space<hbm>> -> memref<10000x128xf32, #tpu.memory_space<hbm>>
      tpu.wait_indirect_dma semaphore(%arg22 : memref<!tpu.dma_semaphore, #tpu.memory_space<semaphore_mem>>) src(%dma_wait3A_31 : memref<10000x128xf32, #tpu.memory_space<hbm>>) dst(%arg15 : memref<80x128xf32, #tpu.memory_space<vmem>>)
      %dma_wait3A_32 = arith.constant 0 : i32
      %dma_wait3A_33 = tpu.memref_slice %arg4[%multiple_of3A, %dma_wait3A_32] : memref<320000x128xf32, #tpu.memory_space<hbm>> -> memref<80x128xf32, #tpu.memory_space<hbm>>
      %dma_wait3A_34 = arith.constant 0 : i32
      %dma_wait3A_35 = tpu.memref_slice %arg4[%multiple_of3A, %dma_wait3A_34] : memref<320000x128xf32, #tpu.memory_space<hbm>> -> memref<80x128xf32, #tpu.memory_space<hbm>>
      tpu.wait_dma2 semaphore(%arg23 : memref<!tpu.dma_semaphore, #tpu.memory_space<semaphore_mem>>) src(%dma_wait3A_35 : memref<80x128xf32, #tpu.memory_space<hbm>>) dst(%arg16 : memref<80x128xf32, #tpu.memory_space<vmem>>)
      %scan3A_36 = arith.constant 0 : i32
      %scan3A_37 = arith.constant 80 : i32
      %scan3A_38 = arith.addi %scan3A_36, %scan3A_37 : i32
      %scan3A_39 = arith.constant 1 : i32
      scf.for %scan3A_41 = %scan3A_36 to %scan3A_38 step %scan3A_39  : i32 {
        %get3A = arith.index_cast %scan3A_41 : i32 to index
        %get3A_42 = arith.constant 0 : index
        %get3A_43 = tpu.vector_load %arg14[%get3A, %get3A_42] {strides = array<i32>} : memref<80x128xf32, #tpu.memory_space<vmem>>, vector<1x16xf32>,
        %get3A_44 = vector.shape_cast %get3A_43 : vector<1x16xf32> to vector<16xf32>
        %get3A_45 = arith.index_cast %scan3A_41 : i32 to index
        %get3A_46 = arith.constant 0 : index
        %get3A_47 = tpu.vector_load %arg15[%get3A_45, %get3A_46] {strides = array<i32>} : memref<80x128xf32, #tpu.memory_space<vmem>>, vector<1x16xf32>,
        %get3A_48 = vector.shape_cast %get3A_47 : vector<1x16xf32> to vector<16xf32>
        %add3A_49 = arith.addf %get3A_44, %get3A_48 : vector<16xf32>
        %get3A_50 = arith.index_cast %scan3A_41 : i32 to index
        %get3A_51 = arith.constant 0 : index
        %get3A_52 = tpu.vector_load %arg16[%get3A_50, %get3A_51] {strides = array<i32>} : memref<80x128xf32, #tpu.memory_space<vmem>>, vector<1x16xf32>,
        %get3A_53 = vector.shape_cast %get3A_52 : vector<1x16xf32> to vector<16xf32>
        %add3A_54 = arith.addf %add3A_49, %get3A_53 : vector<16xf32>
        %max3A = arith.constant 0.000000e+00 : f32
        %max3A_55 = vector.broadcast %max3A : f32 to vector<16xf32>
        %max3A_56 = arith.maximumf %add3A_54, %max3A_55 : vector<16xf32>
        %swap3A = arith.index_cast %scan3A_41 : i32 to index
        %swap3A_57 = arith.constant 0 : index
        %swap3A_58 = tpu.vector_load %arg14[%swap3A, %swap3A_57] {strides = array<i32>} : memref<80x128xf32, #tpu.memory_space<vmem>>, vector<1x16xf32>,
        %swap3A_59 = vector.shape_cast %swap3A_58 : vector<1x16xf32> to vector<16xf32>
        %swap3A_60 = vector.shape_cast %max3A_56 : vector<16xf32> to vector<1x16xf32>
        tpu.vector_store %arg14[%swap3A, %swap3A_57], %swap3A_60 {strides = array<i32>} : memref<80x128xf32, #tpu.memory_space<vmem>>, vector<1x16xf32>,
        %get3A_61 = arith.index_cast %scan3A_41 : i32 to index
        %get3A_62 = arith.constant 16 : index
        %get3A_63 = tpu.vector_load %arg14[%get3A_61, %get3A_62] {strides = array<i32>} : memref<80x128xf32, #tpu.memory_space<vmem>>, vector<1x16xf32>,
        %get3A_64 = vector.shape_cast %get3A_63 : vector<1x16xf32> to vector<16xf32>
        %get3A_65 = arith.index_cast %scan3A_41 : i32 to index
        %get3A_66 = arith.constant 16 : index
        %get3A_67 = tpu.vector_load %arg15[%get3A_65, %get3A_66] {strides = array<i32>} : memref<80x128xf32, #tpu.memory_space<vmem>>, vector<1x16xf32>,
        %get3A_68 = vector.shape_cast %get3A_67 : vector<1x16xf32> to vector<16xf32>
        %add3A_69 = arith.addf %get3A_64, %get3A_68 : vector<16xf32>
        %get3A_70 = arith.index_cast %scan3A_41 : i32 to index
        %get3A_71 = arith.constant 16 : index
        %get3A_72 = tpu.vector_load %arg16[%get3A_70, %get3A_71] {strides = array<i32>} : memref<80x128xf32, #tpu.memory_space<vmem>>, vector<1x16xf32>,
        %get3A_73 = vector.shape_cast %get3A_72 : vector<1x16xf32> to vector<16xf32>
        %add3A_74 = arith.addf %add3A_69, %get3A_73 : vector<16xf32>
        %max3A_75 = arith.constant 0.000000e+00 : f32
        %max3A_76 = vector.broadcast %max3A_75 : f32 to vector<16xf32>
        %max3A_77 = arith.maximumf %add3A_74, %max3A_76 : vector<16xf32>
        %swap3A_78 = arith.index_cast %scan3A_41 : i32 to index
        %swap3A_79 = arith.constant 16 : index
        %swap3A_80 = tpu.vector_load %arg14[%swap3A_78, %swap3A_79] {strides = array<i32>} : memref<80x128xf32, #tpu.memory_space<vmem>>, vector<1x16xf32>,
        %swap3A_81 = vector.shape_cast %swap3A_80 : vector<1x16xf32> to vector<16xf32>
        %swap3A_82 = vector.shape_cast %max3A_77 : vector<16xf32> to vector<1x16xf32>
        tpu.vector_store %arg14[%swap3A_78, %swap3A_79], %swap3A_82 {strides = array<i32>} : memref<80x128xf32, #tpu.memory_space<vmem>>, vector<1x16xf32>,
        %get3A_83 = arith.index_cast %scan3A_41 : i32 to index
        %get3A_84 = arith.constant 32 : index
        %get3A_85 = tpu.vector_load %arg14[%get3A_83, %get3A_84] {strides = array<i32>} : memref<80x128xf32, #tpu.memory_space<vmem>>, vector<1x16xf32>,
        %get3A_86 = vector.shape_cast %get3A_85 : vector<1x16xf32> to vector<16xf32>
        %get3A_87 = arith.index_cast %scan3A_41 : i32 to index
        %get3A_88 = arith.constant 32 : index
        %get3A_89 = tpu.vector_load %arg15[%get3A_87, %get3A_88] {strides = array<i32>} : memref<80x128xf32, #tpu.memory_space<vmem>>, vector<1x16xf32>,
        %get3A_90 = vector.shape_cast %get3A_89 : vector<1x16xf32> to vector<16xf32>
        %add3A_91 = arith.addf %get3A_86, %get3A_90 : vector<16xf32>
        %get3A_92 = arith.index_cast %scan3A_41 : i32 to index
        %get3A_93 = arith.constant 32 : index
        %get3A_94 = tpu.vector_load %arg16[%get3A_92, %get3A_93] {strides = array<i32>} : memref<80x128xf32, #tpu.memory_space<vmem>>, vector<1x16xf32>,
        %get3A_95 = vector.shape_cast %get3A_94 : vector<1x16xf32> to vector<16xf32>
        %add3A_96 = arith.addf %add3A_91, %get3A_95 : vector<16xf32>
        %max3A_97 = arith.constant 0.000000e+00 : f32
        %max3A_98 = vector.broadcast %max3A_97 : f32 to vector<16xf32>
        %max3A_99 = arith.maximumf %add3A_96, %max3A_98 : vector<16xf32>
        %swap3A_100 = arith.index_cast %scan3A_41 : i32 to index
        %swap3A_101 = arith.constant 32 : index
        %swap3A_102 = tpu.vector_load %arg14[%swap3A_100, %swap3A_101] {strides = array<i32>} : memref<80x128xf32, #tpu.memory_space<vmem>>, vector<1x16xf32>,
        %swap3A_103 = vector.shape_cast %swap3A_102 : vector<1x16xf32> to vector<16xf32>
        %swap3A_104 = vector.shape_cast %max3A_99 : vector<16xf32> to vector<1x16xf32>
        tpu.vector_store %arg14[%swap3A_100, %swap3A_101], %swap3A_104 {strides = array<i32>} : memref<80x128xf32, #tpu.memory_space<vmem>>, vector<1x16xf32>,
        %get3A_105 = arith.index_cast %scan3A_41 : i32 to index
        %get3A_106 = arith.constant 48 : index
        %get3A_107 = tpu.vector_load %arg14[%get3A_105, %get3A_106] {strides = array<i32>} : memref<80x128xf32, #tpu.memory_space<vmem>>, vector<1x16xf32>,
        %get3A_108 = vector.shape_cast %get3A_107 : vector<1x16xf32> to vector<16xf32>
        %get3A_109 = arith.index_cast %scan3A_41 : i32 to index
        %get3A_110 = arith.constant 48 : index
        %get3A_111 = tpu.vector_load %arg15[%get3A_109, %get3A_110] {strides = array<i32>} : memref<80x128xf32, #tpu.memory_space<vmem>>, vector<1x16xf32>,
        %get3A_112 = vector.shape_cast %get3A_111 : vector<1x16xf32> to vector<16xf32>
        %add3A_113 = arith.addf %get3A_108, %get3A_112 : vector<16xf32>
        %get3A_114 = arith.index_cast %scan3A_41 : i32 to index
        %get3A_115 = arith.constant 48 : index
        %get3A_116 = tpu.vector_load %arg16[%get3A_114, %get3A_115] {strides = array<i32>} : memref<80x128xf32, #tpu.memory_space<vmem>>, vector<1x16xf32>,
        %get3A_117 = vector.shape_cast %get3A_116 : vector<1x16xf32> to vector<16xf32>
        %add3A_118 = arith.addf %add3A_113, %get3A_117 : vector<16xf32>
        %max3A_119 = arith.constant 0.000000e+00 : f32
        %max3A_120 = vector.broadcast %max3A_119 : f32 to vector<16xf32>
        %max3A_121 = arith.maximumf %add3A_118, %max3A_120 : vector<16xf32>
        %swap3A_122 = arith.index_cast %scan3A_41 : i32 to index
        %swap3A_123 = arith.constant 48 : index
        %swap3A_124 = tpu.vector_load %arg14[%swap3A_122, %swap3A_123] {strides = array<i32>} : memref<80x128xf32, #tpu.memory_space<vmem>>, vector<1x16xf32>,
        %swap3A_125 = vector.shape_cast %swap3A_124 : vector<1x16xf32> to vector<16xf32>
        %swap3A_126 = vector.shape_cast %max3A_121 : vector<16xf32> to vector<1x16xf32>
        tpu.vector_store %arg14[%swap3A_122, %swap3A_123], %swap3A_126 {strides = array<i32>} : memref<80x128xf32, #tpu.memory_space<vmem>>, vector<1x16xf32>,
        %get3A_127 = arith.index_cast %scan3A_41 : i32 to index
        %get3A_128 = arith.constant 64 : index
        %get3A_129 = tpu.vector_load %arg14[%get3A_127, %get3A_128] {strides = array<i32>} : memref<80x128xf32, #tpu.memory_space<vmem>>, vector<1x16xf32>,
        %get3A_130 = vector.shape_cast %get3A_129 : vector<1x16xf32> to vector<16xf32>
        %get3A_131 = arith.index_cast %scan3A_41 : i32 to index
        %get3A_132 = arith.constant 64 : index
        %get3A_133 = tpu.vector_load %arg15[%get3A_131, %get3A_132] {strides = array<i32>} : memref<80x128xf32, #tpu.memory_space<vmem>>, vector<1x16xf32>,
        %get3A_134 = vector.shape_cast %get3A_133 : vector<1x16xf32> to vector<16xf32>
        %add3A_135 = arith.addf %get3A_130, %get3A_134 : vector<16xf32>
        %get3A_136 = arith.index_cast %scan3A_41 : i32 to index
        %get3A_137 = arith.constant 64 : index
        %get3A_138 = tpu.vector_load %arg16[%get3A_136, %get3A_137] {strides = array<i32>} : memref<80x128xf32, #tpu.memory_space<vmem>>, vector<1x16xf32>,
        %get3A_139 = vector.shape_cast %get3A_138 : vector<1x16xf32> to vector<16xf32>
        %add3A_140 = arith.addf %add3A_135, %get3A_139 : vector<16xf32>
        %max3A_141 = arith.constant 0.000000e+00 : f32
        %max3A_142 = vector.broadcast %max3A_141 : f32 to vector<16xf32>
        %max3A_143 = arith.maximumf %add3A_140, %max3A_142 : vector<16xf32>
        %swap3A_144 = arith.index_cast %scan3A_41 : i32 to index
        %swap3A_145 = arith.constant 64 : index
        %swap3A_146 = tpu.vector_load %arg14[%swap3A_144, %swap3A_145] {strides = array<i32>} : memref<80x128xf32, #tpu.memory_space<vmem>>, vector<1x16xf32>,
        %swap3A_147 = vector.shape_cast %swap3A_146 : vector<1x16xf32> to vector<16xf32>
        %swap3A_148 = vector.shape_cast %max3A_143 : vector<16xf32> to vector<1x16xf32>
        tpu.vector_store %arg14[%swap3A_144, %swap3A_145], %swap3A_148 {strides = array<i32>} : memref<80x128xf32, #tpu.memory_space<vmem>>, vector<1x16xf32>,
        %get3A_149 = arith.index_cast %scan3A_41 : i32 to index
        %get3A_150 = arith.constant 80 : index
        %get3A_151 = tpu.vector_load %arg14[%get3A_149, %get3A_150] {strides = array<i32>} : memref<80x128xf32, #tpu.memory_space<vmem>>, vector<1x16xf32>,
        %get3A_152 = vector.shape_cast %get3A_151 : vector<1x16xf32> to vector<16xf32>
        %get3A_153 = arith.index_cast %scan3A_41 : i32 to index
        %get3A_154 = arith.constant 80 : index
        %get3A_155 = tpu.vector_load %arg15[%get3A_153, %get3A_154] {strides = array<i32>} : memref<80x128xf32, #tpu.memory_space<vmem>>, vector<1x16xf32>,
        %get3A_156 = vector.shape_cast %get3A_155 : vector<1x16xf32> to vector<16xf32>
        %add3A_157 = arith.addf %get3A_152, %get3A_156 : vector<16xf32>
        %get3A_158 = arith.index_cast %scan3A_41 : i32 to index
        %get3A_159 = arith.constant 80 : index
        %get3A_160 = tpu.vector_load %arg16[%get3A_158, %get3A_159] {strides = array<i32>} : memref<80x128xf32, #tpu.memory_space<vmem>>, vector<1x16xf32>,
        %get3A_161 = vector.shape_cast %get3A_160 : vector<1x16xf32> to vector<16xf32>
        %add3A_162 = arith.addf %add3A_157, %get3A_161 : vector<16xf32>
        %max3A_163 = arith.constant 0.000000e+00 : f32
        %max3A_164 = vector.broadcast %max3A_163 : f32 to vector<16xf32>
        %max3A_165 = arith.maximumf %add3A_162, %max3A_164 : vector<16xf32>
        %swap3A_166 = arith.index_cast %scan3A_41 : i32 to index
        %swap3A_167 = arith.constant 80 : index
        %swap3A_168 = tpu.vector_load %arg14[%swap3A_166, %swap3A_167] {strides = array<i32>} : memref<80x128xf32, #tpu.memory_space<vmem>>, vector<1x16xf32>,
        %swap3A_169 = vector.shape_cast %swap3A_168 : vector<1x16xf32> to vector<16xf32>
        %swap3A_170 = vector.shape_cast %max3A_165 : vector<16xf32> to vector<1x16xf32>
        tpu.vector_store %arg14[%swap3A_166, %swap3A_167], %swap3A_170 {strides = array<i32>} : memref<80x128xf32, #tpu.memory_space<vmem>>, vector<1x16xf32>,
        %get3A_171 = arith.index_cast %scan3A_41 : i32 to index
        %get3A_172 = arith.constant 96 : index
        %get3A_173 = tpu.vector_load %arg14[%get3A_171, %get3A_172] {strides = array<i32>} : memref<80x128xf32, #tpu.memory_space<vmem>>, vector<1x16xf32>,
        %get3A_174 = vector.shape_cast %get3A_173 : vector<1x16xf32> to vector<16xf32>
        %get3A_175 = arith.index_cast %scan3A_41 : i32 to index
        %get3A_176 = arith.constant 96 : index
        %get3A_177 = tpu.vector_load %arg15[%get3A_175, %get3A_176] {strides = array<i32>} : memref<80x128xf32, #tpu.memory_space<vmem>>, vector<1x16xf32>,
        %get3A_178 = vector.shape_cast %get3A_177 : vector<1x16xf32> to vector<16xf32>
        %add3A_179 = arith.addf %get3A_174, %get3A_178 : vector<16xf32>
        %get3A_180 = arith.index_cast %scan3A_41 : i32 to index
        %get3A_181 = arith.constant 96 : index
        %get3A_182 = tpu.vector_load %arg16[%get3A_180, %get3A_181] {strides = array<i32>} : memref<80x128xf32, #tpu.memory_space<vmem>>, vector<1x16xf32>,
        %get3A_183 = vector.shape_cast %get3A_182 : vector<1x16xf32> to vector<16xf32>
        %add3A_184 = arith.addf %add3A_179, %get3A_183 : vector<16xf32>
        %max3A_185 = arith.constant 0.000000e+00 : f32
        %max3A_186 = vector.broadcast %max3A_185 : f32 to vector<16xf32>
        %max3A_187 = arith.maximumf %add3A_184, %max3A_186 : vector<16xf32>
        %swap3A_188 = arith.index_cast %scan3A_41 : i32 to index
        %swap3A_189 = arith.constant 96 : index
        %swap3A_190 = tpu.vector_load %arg14[%swap3A_188, %swap3A_189] {strides = array<i32>} : memref<80x128xf32, #tpu.memory_space<vmem>>, vector<1x16xf32>,
        %swap3A_191 = vector.shape_cast %swap3A_190 : vector<1x16xf32> to vector<16xf32>
        %swap3A_192 = vector.shape_cast %max3A_187 : vector<16xf32> to vector<1x16xf32>
        tpu.vector_store %arg14[%swap3A_188, %swap3A_189], %swap3A_192 {strides = array<i32>} : memref<80x128xf32, #tpu.memory_space<vmem>>, vector<1x16xf32>,
        %get3A_193 = arith.index_cast %scan3A_41 : i32 to index
        %get3A_194 = arith.constant 112 : index
        %get3A_195 = tpu.vector_load %arg14[%get3A_193, %get3A_194] {strides = array<i32>} : memref<80x128xf32, #tpu.memory_space<vmem>>, vector<1x16xf32>,
        %get3A_196 = vector.shape_cast %get3A_195 : vector<1x16xf32> to vector<16xf32>
        %get3A_197 = arith.index_cast %scan3A_41 : i32 to index
        %get3A_198 = arith.constant 112 : index
        %get3A_199 = tpu.vector_load %arg15[%get3A_197, %get3A_198] {strides = array<i32>} : memref<80x128xf32, #tpu.memory_space<vmem>>, vector<1x16xf32>,
        %get3A_200 = vector.shape_cast %get3A_199 : vector<1x16xf32> to vector<16xf32>
        %add3A_201 = arith.addf %get3A_196, %get3A_200 : vector<16xf32>
        %get3A_202 = arith.index_cast %scan3A_41 : i32 to index
        %get3A_203 = arith.constant 112 : index
        %get3A_204 = tpu.vector_load %arg16[%get3A_202, %get3A_203] {strides = array<i32>} : memref<80x128xf32, #tpu.memory_space<vmem>>, vector<1x16xf32>,
        %get3A_205 = vector.shape_cast %get3A_204 : vector<1x16xf32> to vector<16xf32>
        %add3A_206 = arith.addf %add3A_201, %get3A_205 : vector<16xf32>
        %max3A_207 = arith.constant 0.000000e+00 : f32
        %max3A_208 = vector.broadcast %max3A_207 : f32 to vector<16xf32>
        %max3A_209 = arith.maximumf %add3A_206, %max3A_208 : vector<16xf32>
        %swap3A_210 = arith.index_cast %scan3A_41 : i32 to index
        %swap3A_211 = arith.constant 112 : index
        %swap3A_212 = tpu.vector_load %arg14[%swap3A_210, %swap3A_211] {strides = array<i32>} : memref<80x128xf32, #tpu.memory_space<vmem>>, vector<1x16xf32>,
        %swap3A_213 = vector.shape_cast %swap3A_212 : vector<1x16xf32> to vector<16xf32>
        %swap3A_214 = vector.shape_cast %max3A_209 : vector<16xf32> to vector<1x16xf32>
        tpu.vector_store %arg14[%swap3A_210, %swap3A_211], %swap3A_214 {strides = array<i32>} : memref<80x128xf32, #tpu.memory_space<vmem>>, vector<1x16xf32>,
      }
      %scan3A_40 = arith.constant 80 : i32
      "tpu.region"() ({
        %run_scoped3A = tpu.sem_alloc : memref<!tpu.dma_semaphore, #tpu.memory_space<semaphore_mem>>
        %dma_start3A_41 = arith.constant 0 : i32
        %dma_start3A_42 = arith.constant 0 : i32
        %dma_start3A_43 = tpu.memref_slice %arg19[%dma_start3A_41, %dma_start3A_42] : memref<10000x128xf32, #tpu.memory_space<vmem_shared>> -> memref<10000x128xf32, #tpu.memory_space<vmem_shared>>
        tpu.enqueue_indirect_dma source(%arg14 : memref<80x128xf32, #tpu.memory_space<vmem>>) target(%dma_start3A_43 : memref<10000x128xf32, #tpu.memory_space<vmem_shared>>) offsets(%arg13 : memref<80xi32, #tpu.memory_space<vmem>>) semaphore(%run_scoped3A : memref<!tpu.dma_semaphore, #tpu.memory_space<semaphore_mem>>) {add = true}
        %dma_wait3A_44 = arith.constant 0 : i32
        %dma_wait3A_45 = arith.constant 0 : i32
        %dma_wait3A_46 = tpu.memref_slice %arg19[%dma_wait3A_44, %dma_wait3A_45] : memref<10000x128xf32, #tpu.memory_space<vmem_shared>> -> memref<10000x128xf32, #tpu.memory_space<vmem_shared>>
        tpu.wait_indirect_dma semaphore(%run_scoped3A : memref<!tpu.dma_semaphore, #tpu.memory_space<semaphore_mem>>) src(%arg14 : memref<80x128xf32, #tpu.memory_space<vmem>>) dst(%dma_wait3A_46 : memref<10000x128xf32, #tpu.memory_space<vmem_shared>>)
        tpu.yield
      }) : () -> ()
      "tpu.region"() ({
        %run_scoped3A = tpu.sem_alloc : memref<!tpu.dma_semaphore, #tpu.memory_space<semaphore_mem>>
        %dma_start3A_41 = arith.constant 0 : i32
        %dma_start3A_42 = tpu.memref_slice %arg20[%dma_start3A_41] : memref<10000xf32, #tpu.memory_space<vmem_shared>> -> memref<10000xf32, #tpu.memory_space<vmem_shared>>
        tpu.enqueue_indirect_dma source(%arg17 : memref<80xf32, #tpu.memory_space<vmem>>) target(%dma_start3A_42 : memref<10000xf32, #tpu.memory_space<vmem_shared>>) offsets(%arg13 : memref<80xi32, #tpu.memory_space<vmem>>) semaphore(%run_scoped3A : memref<!tpu.dma_semaphore, #tpu.memory_space<semaphore_mem>>) {add = true}
        %dma_wait3A_43 = arith.constant 0 : i32
        %dma_wait3A_44 = tpu.memref_slice %arg20[%dma_wait3A_43] : memref<10000xf32, #tpu.memory_space<vmem_shared>> -> memref<10000xf32, #tpu.memory_space<vmem_shared>>
        tpu.wait_indirect_dma semaphore(%run_scoped3A : memref<!tpu.dma_semaphore, #tpu.memory_space<semaphore_mem>>) src(%arg17 : memref<80xf32, #tpu.memory_space<vmem>>) dst(%dma_wait3A_44 : memref<10000xf32, #tpu.memory_space<vmem_shared>>)
        tpu.yield
      }) : () -> ()
    }
    %scan3A_6 = arith.constant 250 : i32
    %barrier3A_7 = arith.constant 0 : index
    tpu.barrier barrier_id(%barrier3A_7)
    "tpu.region"() ({
      %run_scoped3A = tpu.sem_alloc : memref<!tpu.dma_semaphore, #tpu.memory_space<semaphore_mem>>
      %dma_start3A = arith.constant 0 : i32
      %dma_start3A_13 = tpu.memref_slice %arg10[%mul3A_0, %dma_start3A] : memref<10000x128xf32, #tpu.memory_space<hbm>> -> memref<624x128xf32, #tpu.memory_space<hbm>>
      %dma_start3A_14 = arith.constant 0 : i32
      %dma_start3A_15 = tpu.memref_slice %arg19[%mul3A_0, %dma_start3A_14] : memref<10000x128xf32, #tpu.memory_space<vmem_shared>> -> memref<624x128xf32, #tpu.memory_space<vmem_shared>>
      tpu.enqueue_dma source(%dma_start3A_15 : memref<624x128xf32, #tpu.memory_space<vmem_shared>>) target(%dma_start3A_13 : memref<624x128xf32, #tpu.memory_space<hbm>>) target_semaphore(%run_scoped3A : memref<!tpu.dma_semaphore, #tpu.memory_space<semaphore_mem>>)
      %dma_wait3A = arith.constant 0 : i32
      %dma_wait3A_16 = tpu.memref_slice %arg10[%mul3A_0, %dma_wait3A] : memref<10000x128xf32, #tpu.memory_space<hbm>> -> memref<624x128xf32, #tpu.memory_space<hbm>>
      %dma_wait3A_17 = arith.constant 0 : i32
      %dma_wait3A_18 = tpu.memref_slice %arg19[%mul3A_0, %dma_wait3A_17] : memref<10000x128xf32, #tpu.memory_space<vmem_shared>> -> memref<624x128xf32, #tpu.memory_space<vmem_shared>>
      tpu.wait_dma2 semaphore(%run_scoped3A : memref<!tpu.dma_semaphore, #tpu.memory_space<semaphore_mem>>) src(%dma_wait3A_18 : memref<624x128xf32, #tpu.memory_space<vmem_shared>>) dst(%dma_wait3A_16 : memref<624x128xf32, #tpu.memory_space<hbm>>)
      tpu.yield
    }) : () -> ()
    "tpu.region"() ({
      %run_scoped3A = tpu.sem_alloc : memref<!tpu.dma_semaphore, #tpu.memory_space<semaphore_mem>>
      %dma_start3A = tpu.memref_slice %arg20[%mul3A_0] : memref<10000xf32, #tpu.memory_space<vmem_shared>> -> memref<624xf32, #tpu.memory_space<vmem_shared>>
      %dma_start3A_13 = tpu.memref_slice %arg20[%mul3A_0] : memref<10000xf32, #tpu.memory_space<vmem_shared>> -> memref<624xf32, #tpu.memory_space<vmem_shared>>
      tpu.enqueue_dma source(%dma_start3A_13 : memref<624xf32, #tpu.memory_space<vmem_shared>>) target(%arg18 : memref<624xf32, #tpu.memory_space<vmem>>) target_semaphore(%run_scoped3A : memref<!tpu.dma_semaphore, #tpu.memory_space<semaphore_mem>>)
      %dma_wait3A = tpu.memref_slice %arg20[%mul3A_0] : memref<10000xf32, #tpu.memory_space<vmem_shared>> -> memref<624xf32, #tpu.memory_space<vmem_shared>>
      %dma_wait3A_14 = tpu.memref_slice %arg20[%mul3A_0] : memref<10000xf32, #tpu.memory_space<vmem_shared>> -> memref<624xf32, #tpu.memory_space<vmem_shared>>
      tpu.wait_dma2 semaphore(%run_scoped3A : memref<!tpu.dma_semaphore, #tpu.memory_space<semaphore_mem>>) src(%dma_wait3A_14 : memref<624xf32, #tpu.memory_space<vmem_shared>>) dst(%arg18 : memref<624xf32, #tpu.memory_space<vmem>>)
      tpu.yield
    }) : () -> ()
    "tpu.region"() ({
      %run_scoped3A = tpu.sem_alloc : memref<!tpu.dma_semaphore, #tpu.memory_space<semaphore_mem>>
      %dma_start3A = tpu.memref_slice %arg11[%mul3A_0] : memref<10000xf32, #tpu.memory_space<hbm>> -> memref<624xf32, #tpu.memory_space<hbm>>
      %dma_start3A_13 = tpu.memref_slice %arg11[%mul3A_0] : memref<10000xf32, #tpu.memory_space<hbm>> -> memref<624xf32, #tpu.memory_space<hbm>>
      tpu.enqueue_dma source(%arg18 : memref<624xf32, #tpu.memory_space<vmem>>) target(%dma_start3A_13 : memref<624xf32, #tpu.memory_space<hbm>>) target_semaphore(%run_scoped3A : memref<!tpu.dma_semaphore, #tpu.memory_space<semaphore_mem>>)
      %dma_wait3A = tpu.memref_slice %arg11[%mul3A_0] : memref<10000xf32, #tpu.memory_space<hbm>> -> memref<624xf32, #tpu.memory_space<hbm>>
      %dma_wait3A_14 = tpu.memref_slice %arg11[%mul3A_0] : memref<10000xf32, #tpu.memory_space<hbm>> -> memref<624xf32, #tpu.memory_space<hbm>>
      tpu.wait_dma2 semaphore(%run_scoped3A : memref<!tpu.dma_semaphore, #tpu.memory_space<semaphore_mem>>) src(%arg18 : memref<624xf32, #tpu.memory_space<vmem>>) dst(%dma_wait3A_14 : memref<624xf32, #tpu.memory_space<hbm>>)
      tpu.yield
    }) : () -> ()
    %eq3A_8 = arith.constant 15 : i32
    %eq3A_9 = arith.cmpi eq, %arg1, %eq3A_8 : i32
    %convert_element_type3A_10 = arith.extui %eq3A_9 : i1 to i32
    %cond3A_11 = arith.constant 0 : i32
    %cond3A_12 = arith.cmpi ne, %convert_element_type3A_10, %cond3A_11 : i32
    scf.if %cond3A_12 {
      "tpu.region"() ({
        %run_scoped3A = tpu.sem_alloc : memref<!tpu.dma_semaphore, #tpu.memory_space<semaphore_mem>>
        %dma_start3A = arith.constant 9984 : i32
        %dma_start3A_13 = arith.constant 0 : i32
        %dma_start3A_14 = tpu.memref_slice %arg10[%dma_start3A, %dma_start3A_13] : memref<10000x128xf32, #tpu.memory_space<hbm>> -> memref<16x128xf32, #tpu.memory_space<hbm>>
        %dma_start3A_15 = arith.constant 9984 : i32
        %dma_start3A_16 = arith.constant 0 : i32
        %dma_start3A_17 = tpu.memref_slice %arg19[%dma_start3A_15, %dma_start3A_16] : memref<10000x128xf32, #tpu.memory_space<vmem_shared>> -> memref<16x128xf32, #tpu.memory_space<vmem_shared>>
        tpu.enqueue_dma source(%dma_start3A_17 : memref<16x128xf32, #tpu.memory_space<vmem_shared>>) target(%dma_start3A_14 : memref<16x128xf32, #tpu.memory_space<hbm>>) target_semaphore(%run_scoped3A : memref<!tpu.dma_semaphore, #tpu.memory_space<semaphore_mem>>)
        %dma_wait3A = arith.constant 9984 : i32
        %dma_wait3A_18 = arith.constant 0 : i32
        %dma_wait3A_19 = tpu.memref_slice %arg10[%dma_wait3A, %dma_wait3A_18] : memref<10000x128xf32, #tpu.memory_space<hbm>> -> memref<16x128xf32, #tpu.memory_space<hbm>>
        %dma_wait3A_20 = arith.constant 9984 : i32
        %dma_wait3A_21 = arith.constant 0 : i32
        %dma_wait3A_22 = tpu.memref_slice %arg19[%dma_wait3A_20, %dma_wait3A_21] : memref<10000x128xf32, #tpu.memory_space<vmem_shared>> -> memref<16x128xf32, #tpu.memory_space<vmem_shared>>
        tpu.wait_dma2 semaphore(%run_scoped3A : memref<!tpu.dma_semaphore, #tpu.memory_space<semaphore_mem>>) src(%dma_wait3A_22 : memref<16x128xf32, #tpu.memory_space<vmem_shared>>) dst(%dma_wait3A_19 : memref<16x128xf32, #tpu.memory_space<hbm>>)
        tpu.yield
      }) : () -> ()
      "tpu.region"() ({
        %run_scoped3A = tpu.sem_alloc : memref<!tpu.dma_semaphore, #tpu.memory_space<semaphore_mem>>
        %dma_start3A = arith.constant 0 : i32
        %dma_start3A_13 = tpu.memref_slice %arg18[%dma_start3A] : memref<624xf32, #tpu.memory_space<vmem>> -> memref<16xf32, #tpu.memory_space<vmem>>
        %dma_start3A_14 = arith.constant 9984 : i32
        %dma_start3A_15 = tpu.memref_slice %arg20[%dma_start3A_14] : memref<10000xf32, #tpu.memory_space<vmem_shared>> -> memref<16xf32, #tpu.memory_space<vmem_shared>>
        %dma_start3A_16 = arith.constant 0 : i32
        %dma_start3A_17 = tpu.memref_slice %arg18[%dma_start3A_16] : memref<624xf32, #tpu.memory_space<vmem>> -> memref<16xf32, #tpu.memory_space<vmem>>
        %dma_start3A_18 = arith.constant 9984 : i32
        %dma_start3A_19 = tpu.memref_slice %arg20[%dma_start3A_18] : memref<10000xf32, #tpu.memory_space<vmem_shared>> -> memref<16xf32, #tpu.memory_space<vmem_shared>>
        tpu.enqueue_dma source(%dma_start3A_19 : memref<16xf32, #tpu.memory_space<vmem_shared>>) target(%dma_start3A_17 : memref<16xf32, #tpu.memory_space<vmem>>) target_semaphore(%run_scoped3A : memref<!tpu.dma_semaphore, #tpu.memory_space<semaphore_mem>>)
        %dma_wait3A = arith.constant 0 : i32
        %dma_wait3A_20 = tpu.memref_slice %arg18[%dma_wait3A] : memref<624xf32, #tpu.memory_space<vmem>> -> memref<16xf32, #tpu.memory_space<vmem>>
        %dma_wait3A_21 = arith.constant 9984 : i32
        %dma_wait3A_22 = tpu.memref_slice %arg20[%dma_wait3A_21] : memref<10000xf32, #tpu.memory_space<vmem_shared>> -> memref<16xf32, #tpu.memory_space<vmem_shared>>
        %dma_wait3A_23 = arith.constant 0 : i32
        %dma_wait3A_24 = tpu.memref_slice %arg18[%dma_wait3A_23] : memref<624xf32, #tpu.memory_space<vmem>> -> memref<16xf32, #tpu.memory_space<vmem>>
        %dma_wait3A_25 = arith.constant 9984 : i32
        %dma_wait3A_26 = tpu.memref_slice %arg20[%dma_wait3A_25] : memref<10000xf32, #tpu.memory_space<vmem_shared>> -> memref<16xf32, #tpu.memory_space<vmem_shared>>
        tpu.wait_dma2 semaphore(%run_scoped3A : memref<!tpu.dma_semaphore, #tpu.memory_space<semaphore_mem>>) src(%dma_wait3A_26 : memref<16xf32, #tpu.memory_space<vmem_shared>>) dst(%dma_wait3A_24 : memref<16xf32, #tpu.memory_space<vmem>>)
        tpu.yield
      }) : () -> ()
      "tpu.region"() ({
        %run_scoped3A = tpu.sem_alloc : memref<!tpu.dma_semaphore, #tpu.memory_space<semaphore_mem>>
        %dma_start3A = arith.constant 0 : i32
        %dma_start3A_13 = tpu.memref_slice %arg18[%dma_start3A] : memref<624xf32, #tpu.memory_space<vmem>> -> memref<16xf32, #tpu.memory_space<vmem>>
        %dma_start3A_14 = arith.constant 9984 : i32
        %dma_start3A_15 = tpu.memref_slice %arg11[%dma_start3A_14] : memref<10000xf32, #tpu.memory_space<hbm>> -> memref<16xf32, #tpu.memory_space<hbm>>
        %dma_start3A_16 = arith.constant 9984 : i32
        %dma_start3A_17 = tpu.memref_slice %arg11[%dma_start3A_16] : memref<10000xf32, #tpu.memory_space<hbm>> -> memref<16xf32, #tpu.memory_space<hbm>>
        %dma_start3A_18 = arith.constant 0 : i32
        %dma_start3A_19 = tpu.memref_slice %arg18[%dma_start3A_18] : memref<624xf32, #tpu.memory_space<vmem>> -> memref<16xf32, #tpu.memory_space<vmem>>
        tpu.enqueue_dma source(%dma_start3A_19 : memref<16xf32, #tpu.memory_space<vmem>>) target(%dma_start3A_17 : memref<16xf32, #tpu.memory_space<hbm>>) target_semaphore(%run_scoped3A : memref<!tpu.dma_semaphore, #tpu.memory_space<semaphore_mem>>)
        %dma_wait3A = arith.constant 0 : i32
        %dma_wait3A_20 = tpu.memref_slice %arg18[%dma_wait3A] : memref<624xf32, #tpu.memory_space<vmem>> -> memref<16xf32, #tpu.memory_space<vmem>>
        %dma_wait3A_21 = arith.constant 9984 : i32
        %dma_wait3A_22 = tpu.memref_slice %arg11[%dma_wait3A_21] : memref<10000xf32, #tpu.memory_space<hbm>> -> memref<16xf32, #tpu.memory_space<hbm>>
        %dma_wait3A_23 = arith.constant 9984 : i32
        %dma_wait3A_24 = tpu.memref_slice %arg11[%dma_wait3A_23] : memref<10000xf32, #tpu.memory_space<hbm>> -> memref<16xf32, #tpu.memory_space<hbm>>
        %dma_wait3A_25 = arith.constant 0 : i32
        %dma_wait3A_26 = tpu.memref_slice %arg18[%dma_wait3A_25] : memref<624xf32, #tpu.memory_space<vmem>> -> memref<16xf32, #tpu.memory_space<vmem>>
        tpu.wait_dma2 semaphore(%run_scoped3A : memref<!tpu.dma_semaphore, #tpu.memory_space<semaphore_mem>>) src(%dma_wait3A_26 : memref<16xf32, #tpu.memory_space<vmem>>) dst(%dma_wait3A_24 : memref<16xf32, #tpu.memory_space<hbm>>)
        tpu.yield
      }) : () -> ()
    } else {
    }
    return
  }
}

module attributes {stable_mosaic.version = 14 : i64} {
  func.func @_ebias_body(%arg0: i32, %arg1: memref<2000x16xf32, #tpu.memory_space<vmem>>, %arg2: memref<16x128xf32, #tpu.memory_space<vmem>>, %arg3: memref<1x128xf32, #tpu.memory_space<vmem>>, %arg4: memref<2000x128xf32, #tpu.memory_space<vmem>>) attributes {dimension_semantics = [#tpu.dimension_semantics<arbitrary>], iteration_bounds = array<i64: 160>, scalar_prefetch = 0 : i64, scratch_operands = 0 : i64, tpu.core_type = #tpu.core_type<tc>, window_params = [{transform_indices = @transform_0, window_bounds = array<i64: 2000, 16>}, {pipeline_mode = #tpu.pipeline_mode<synchronous>, transform_indices = @transform_1, window_bounds = array<i64: 16, 128>}, {pipeline_mode = #tpu.pipeline_mode<synchronous>, transform_indices = @transform_2, window_bounds = array<i64: 1, 128>}, {transform_indices = @transform_3, window_bounds = array<i64: 2000, 128>}]} {
    %get3A = arith.constant 0 : index
    %get3A_0 = arith.constant 0 : index
    %get3A_1 = vector.load %arg1[%get3A, %get3A_0] : memref<2000x16xf32, #tpu.memory_space<vmem>>, vector<2000x16xf32>
    %get3A_2 = arith.constant 0 : index
    %get3A_3 = arith.constant 0 : index
    %get3A_4 = vector.load %arg2[%get3A_2, %get3A_3] : memref<16x128xf32, #tpu.memory_space<vmem>>, vector<16x128xf32>
    %dot_general3A = arith.constant dense<0.000000e+00> : vector<2000x128xf32>
    %dot_general3A_5 = tpu.matmul %get3A_1, %get3A_4, %dot_general3A {dimension_numbers = #tpu.dot_dimension_numbers<[1], [0], [0], [1], [0, 0, 1, 1], [], []>, transpose_lhs_hint = false} : vector<2000x16xf32>, vector<16x128xf32>, vector<2000x128xf32> -> vector<2000x128xf32>
    %get3A_6 = arith.constant 0 : index
    %get3A_7 = arith.constant 0 : index
    %get3A_8 = vector.load %arg3[%get3A_6, %get3A_7] : memref<1x128xf32, #tpu.memory_space<vmem>>, vector<1x128xf32>
    %add3A = vector.broadcast %get3A_8 : vector<1x128xf32> to vector<2000x128xf32>
    %add3A_9 = arith.addf %dot_general3A_5, %add3A : vector<2000x128xf32>
    %swap3A = arith.constant 0 : index
    %swap3A_10 = arith.constant 0 : index
    %swap3A_11 = vector.load %arg4[%swap3A, %swap3A_10] : memref<2000x128xf32, #tpu.memory_space<vmem>>, vector<2000x128xf32>
    tpu.vector_store %arg4[%swap3A, %swap3A_10], %add3A_9 {strides = array<i32>} : memref<2000x128xf32, #tpu.memory_space<vmem>>, vector<2000x128xf32>,
    return
  }
  func.func @transform_0(%arg0: i32) -> (i32, i32) {
    %c0_i32 = arith.constant 0 : i32
    %c0_i32_0 = arith.constant 0 : i32
    return %arg0, %c0_i32 : i32, i32
  }
  func.func @transform_1(%arg0: i32) -> (i32, i32) {
    %c0_i32 = arith.constant 0 : i32
    %c0_i32_0 = arith.constant 0 : i32
    %c0_i32_1 = arith.constant 0 : i32
    return %c0_i32, %c0_i32_0 : i32, i32
  }
  func.func @transform_2(%arg0: i32) -> (i32, i32) {
    %c0_i32 = arith.constant 0 : i32
    %c0_i32_0 = arith.constant 0 : i32
    %c0_i32_1 = arith.constant 0 : i32
    return %c0_i32, %c0_i32_0 : i32, i32
  }
  func.func @transform_3(%arg0: i32) -> (i32, i32) {
    %c0_i32 = arith.constant 0 : i32
    %c0_i32_0 = arith.constant 0 : i32
    return %arg0, %c0_i32 : i32, i32
  }
}

module attributes {stable_mosaic.version = 14 : i64} {
  func.func @_proj_body(%arg0: i32, %arg1: memref<1000x128xf32, #tpu.memory_space<vmem>>, %arg2: memref<128x128xf32, #tpu.memory_space<vmem>>, %arg3: memref<128x128xf32, #tpu.memory_space<vmem>>, %arg4: memref<1000x128xf32, #tpu.memory_space<vmem>>, %arg5: memref<1000x128xf32, #tpu.memory_space<vmem>>) attributes {dimension_semantics = [#tpu.dimension_semantics<arbitrary>], iteration_bounds = array<i64: 10>, scalar_prefetch = 0 : i64, scratch_operands = 0 : i64, tpu.core_type = #tpu.core_type<tc>, window_params = [{transform_indices = @transform_0, window_bounds = array<i64: 1000, 128>}, {pipeline_mode = #tpu.pipeline_mode<synchronous>, transform_indices = @transform_1, window_bounds = array<i64: 128, 128>}, {pipeline_mode = #tpu.pipeline_mode<synchronous>, transform_indices = @transform_2, window_bounds = array<i64: 128, 128>}, {transform_indices = @transform_3, window_bounds = array<i64: 1000, 128>}, {transform_indices = @transform_4, window_bounds = array<i64: 1000, 128>}]} {
    %get3A = arith.constant 0 : index
    %get3A_0 = arith.constant 0 : index
    %get3A_1 = vector.load %arg1[%get3A, %get3A_0] : memref<1000x128xf32, #tpu.memory_space<vmem>>, vector<1000x128xf32>
    %get3A_2 = arith.constant 0 : index
    %get3A_3 = arith.constant 0 : index
    %get3A_4 = vector.load %arg2[%get3A_2, %get3A_3] : memref<128x128xf32, #tpu.memory_space<vmem>>, vector<128x128xf32>
    %dot_general3A = arith.constant dense<0.000000e+00> : vector<1000x128xf32>
    %dot_general3A_5 = tpu.matmul %get3A_1, %get3A_4, %dot_general3A {dimension_numbers = #tpu.dot_dimension_numbers<[1], [0], [0], [1], [0, 0, 1, 1], [], []>, transpose_lhs_hint = false} : vector<1000x128xf32>, vector<128x128xf32>, vector<1000x128xf32> -> vector<1000x128xf32>
    %swap3A = arith.constant 0 : index
    %swap3A_6 = arith.constant 0 : index
    %swap3A_7 = vector.load %arg4[%swap3A, %swap3A_6] : memref<1000x128xf32, #tpu.memory_space<vmem>>, vector<1000x128xf32>
    tpu.vector_store %arg4[%swap3A, %swap3A_6], %dot_general3A_5 {strides = array<i32>} : memref<1000x128xf32, #tpu.memory_space<vmem>>, vector<1000x128xf32>,
    %get3A_8 = arith.constant 0 : index
    %get3A_9 = arith.constant 0 : index
    %get3A_10 = vector.load %arg3[%get3A_8, %get3A_9] : memref<128x128xf32, #tpu.memory_space<vmem>>, vector<128x128xf32>
    %dot_general3A_11 = arith.constant dense<0.000000e+00> : vector<1000x128xf32>
    %dot_general3A_12 = tpu.matmul %get3A_1, %get3A_10, %dot_general3A_11 {dimension_numbers = #tpu.dot_dimension_numbers<[1], [0], [0], [1], [0, 0, 1, 1], [], []>, transpose_lhs_hint = false} : vector<1000x128xf32>, vector<128x128xf32>, vector<1000x128xf32> -> vector<1000x128xf32>
    %swap3A_13 = arith.constant 0 : index
    %swap3A_14 = arith.constant 0 : index
    %swap3A_15 = vector.load %arg5[%swap3A_13, %swap3A_14] : memref<1000x128xf32, #tpu.memory_space<vmem>>, vector<1000x128xf32>
    tpu.vector_store %arg5[%swap3A_13, %swap3A_14], %dot_general3A_12 {strides = array<i32>} : memref<1000x128xf32, #tpu.memory_space<vmem>>, vector<1000x128xf32>,
    return
  }
  func.func @transform_0(%arg0: i32) -> (i32, i32) {
    %c0_i32 = arith.constant 0 : i32
    %c0_i32_0 = arith.constant 0 : i32
    return %arg0, %c0_i32 : i32, i32
  }
  func.func @transform_1(%arg0: i32) -> (i32, i32) {
    %c0_i32 = arith.constant 0 : i32
    %c0_i32_0 = arith.constant 0 : i32
    %c0_i32_1 = arith.constant 0 : i32
    return %c0_i32, %c0_i32_0 : i32, i32
  }
  func.func @transform_2(%arg0: i32) -> (i32, i32) {
    %c0_i32 = arith.constant 0 : i32
    %c0_i32_0 = arith.constant 0 : i32
    %c0_i32_1 = arith.constant 0 : i32
    return %c0_i32, %c0_i32_0 : i32, i32
  }
  func.func @transform_3(%arg0: i32) -> (i32, i32) {
    %c0_i32 = arith.constant 0 : i32
    %c0_i32_0 = arith.constant 0 : i32
    return %arg0, %c0_i32 : i32, i32
  }
  func.func @transform_4(%arg0: i32) -> (i32, i32) {
    %c0_i32 = arith.constant 0 : i32
    %c0_i32_0 = arith.constant 0 : i32
    return %arg0, %c0_i32 : i32, i32
  }
}

module attributes {stable_mosaic.version = 14 : i64} {
  func.func @_node_body(%arg0: i32, %arg1: memref<1000x128xf32, #tpu.memory_space<vmem>>, %arg2: memref<1000x1xf32, #tpu.memory_space<vmem>>, %arg3: memref<1000x128xf32, #tpu.memory_space<vmem>>, %arg4: memref<128x128xf32, #tpu.memory_space<vmem>>, %arg5: memref<1x128xf32, #tpu.memory_space<vmem>>, %arg6: memref<128x128xf32, #tpu.memory_space<vmem>>, %arg7: memref<128x128xf32, #tpu.memory_space<vmem>>, %arg8: memref<1x128xf32, #tpu.memory_space<vmem>>, %arg9: memref<128x128xf32, #tpu.memory_space<vmem>>, %arg10: memref<1x128xf32, #tpu.memory_space<vmem>>, %arg11: memref<1000x128xf32, #tpu.memory_space<vmem>>) attributes {dimension_semantics = [#tpu.dimension_semantics<arbitrary>], iteration_bounds = array<i64: 10>, scalar_prefetch = 0 : i64, scratch_operands = 0 : i64, tpu.core_type = #tpu.core_type<tc>, window_params = [{transform_indices = @transform_0, window_bounds = array<i64: 1000, 128>}, {transform_indices = @transform_1, window_bounds = array<i64: 1000, 1>}, {transform_indices = @transform_2, window_bounds = array<i64: 1000, 128>}, {pipeline_mode = #tpu.pipeline_mode<synchronous>, transform_indices = @transform_3, window_bounds = array<i64: 128, 128>}, {pipeline_mode = #tpu.pipeline_mode<synchronous>, transform_indices = @transform_4, window_bounds = array<i64: 1, 128>}, {pipeline_mode = #tpu.pipeline_mode<synchronous>, transform_indices = @transform_5, window_bounds = array<i64: 128, 128>}, {pipeline_mode = #tpu.pipeline_mode<synchronous>, transform_indices = @transform_6, window_bounds = array<i64: 128, 128>}, {pipeline_mode = #tpu.pipeline_mode<synchronous>, transform_indices = @transform_7, window_bounds = array<i64: 1, 128>}, {pipeline_mode = #tpu.pipeline_mode<synchronous>, transform_indices = @transform_8, window_bounds = array<i64: 128, 128>}, {pipeline_mode = #tpu.pipeline_mode<synchronous>, transform_indices = @transform_9, window_bounds = array<i64: 1, 128>}, {transform_indices = @transform_10, window_bounds = array<i64: 1000, 128>}]} {
    %get3A = arith.constant 0 : index
    %get3A_0 = arith.constant 0 : index
    %get3A_1 = vector.load %arg1[%get3A, %get3A_0] : memref<1000x128xf32, #tpu.memory_space<vmem>>, vector<1000x128xf32>
    %get3A_2 = arith.constant 0 : index
    %get3A_3 = arith.constant 0 : index
    %get3A_4 = vector.load %arg2[%get3A_2, %get3A_3] : memref<1000x1xf32, #tpu.memory_space<vmem>>, vector<1000x1xf32>
    %get3A_5 = arith.constant 0 : index
    %get3A_6 = arith.constant 0 : index
    %get3A_7 = vector.load %arg4[%get3A_5, %get3A_6] : memref<128x128xf32, #tpu.memory_space<vmem>>, vector<128x128xf32>
    %dot_general3A = arith.constant dense<0.000000e+00> : vector<1000x128xf32>
    %dot_general3A_8 = tpu.matmul %get3A_1, %get3A_7, %dot_general3A {dimension_numbers = #tpu.dot_dimension_numbers<[1], [0], [0], [1], [0, 0, 1, 1], [], []>, transpose_lhs_hint = false} : vector<1000x128xf32>, vector<128x128xf32>, vector<1000x128xf32> -> vector<1000x128xf32>
    %get3A_9 = arith.constant 0 : index
    %get3A_10 = arith.constant 0 : index
    %get3A_11 = vector.load %arg5[%get3A_9, %get3A_10] : memref<1x128xf32, #tpu.memory_space<vmem>>, vector<1x128xf32>
    %mul3A = vector.broadcast %get3A_4 : vector<1000x1xf32> to vector<1000x128xf32>
    %mul3A_12 = vector.broadcast %get3A_11 : vector<1x128xf32> to vector<1000x128xf32>
    %mul3A_13 = arith.mulf %mul3A, %mul3A_12 : vector<1000x128xf32>
    %add3A = arith.addf %dot_general3A_8, %mul3A_13 : vector<1000x128xf32>
    %get3A_14 = arith.constant 0 : index
    %get3A_15 = arith.constant 0 : index
    %get3A_16 = vector.load %arg3[%get3A_14, %get3A_15] : memref<1000x128xf32, #tpu.memory_space<vmem>>, vector<1000x128xf32>
    %get3A_17 = arith.constant 0 : index
    %get3A_18 = arith.constant 0 : index
    %get3A_19 = vector.load %arg6[%get3A_17, %get3A_18] : memref<128x128xf32, #tpu.memory_space<vmem>>, vector<128x128xf32>
    %dot_general3A_20 = arith.constant dense<0.000000e+00> : vector<1000x128xf32>
    %dot_general3A_21 = tpu.matmul %get3A_16, %get3A_19, %dot_general3A_20 {dimension_numbers = #tpu.dot_dimension_numbers<[1], [0], [0], [1], [0, 0, 1, 1], [], []>, transpose_lhs_hint = false} : vector<1000x128xf32>, vector<128x128xf32>, vector<1000x128xf32> -> vector<1000x128xf32>
    %get3A_22 = arith.constant 0 : index
    %get3A_23 = arith.constant 0 : index
    %get3A_24 = vector.load %arg7[%get3A_22, %get3A_23] : memref<128x128xf32, #tpu.memory_space<vmem>>, vector<128x128xf32>
    %dot_general3A_25 = arith.constant dense<0.000000e+00> : vector<1000x128xf32>
    %dot_general3A_26 = tpu.matmul %add3A, %get3A_24, %dot_general3A_25 {dimension_numbers = #tpu.dot_dimension_numbers<[1], [0], [0], [1], [0, 0, 1, 1], [], []>, transpose_lhs_hint = false} : vector<1000x128xf32>, vector<128x128xf32>, vector<1000x128xf32> -> vector<1000x128xf32>
    %add3A_27 = arith.addf %dot_general3A_21, %dot_general3A_26 : vector<1000x128xf32>
    %get3A_28 = arith.constant 0 : index
    %get3A_29 = arith.constant 0 : index
    %get3A_30 = vector.load %arg8[%get3A_28, %get3A_29] : memref<1x128xf32, #tpu.memory_space<vmem>>, vector<1x128xf32>
    %add3A_31 = vector.broadcast %get3A_30 : vector<1x128xf32> to vector<1000x128xf32>
    %add3A_32 = arith.addf %add3A_27, %add3A_31 : vector<1000x128xf32>
    %max3A = arith.constant 0.000000e+00 : f32
    %max3A_33 = vector.broadcast %max3A : f32 to vector<1000x128xf32>
    %max3A_34 = arith.maximumf %add3A_32, %max3A_33 : vector<1000x128xf32>
    %get3A_35 = arith.constant 0 : index
    %get3A_36 = arith.constant 0 : index
    %get3A_37 = vector.load %arg9[%get3A_35, %get3A_36] : memref<128x128xf32, #tpu.memory_space<vmem>>, vector<128x128xf32>
    %dot_general3A_38 = arith.constant dense<0.000000e+00> : vector<1000x128xf32>
    %dot_general3A_39 = tpu.matmul %max3A_34, %get3A_37, %dot_general3A_38 {dimension_numbers = #tpu.dot_dimension_numbers<[1], [0], [0], [1], [0, 0, 1, 1], [], []>, transpose_lhs_hint = false} : vector<1000x128xf32>, vector<128x128xf32>, vector<1000x128xf32> -> vector<1000x128xf32>
    %get3A_40 = arith.constant 0 : index
    %get3A_41 = arith.constant 0 : index
    %get3A_42 = vector.load %arg10[%get3A_40, %get3A_41] : memref<1x128xf32, #tpu.memory_space<vmem>>, vector<1x128xf32>
    %add3A_43 = vector.broadcast %get3A_42 : vector<1x128xf32> to vector<1000x128xf32>
    %add3A_44 = arith.addf %dot_general3A_39, %add3A_43 : vector<1000x128xf32>
    %swap3A = arith.constant 0 : index
    %swap3A_45 = arith.constant 0 : index
    %swap3A_46 = vector.load %arg11[%swap3A, %swap3A_45] : memref<1000x128xf32, #tpu.memory_space<vmem>>, vector<1000x128xf32>
    tpu.vector_store %arg11[%swap3A, %swap3A_45], %add3A_44 {strides = array<i32>} : memref<1000x128xf32, #tpu.memory_space<vmem>>, vector<1000x128xf32>,
    return
  }
  func.func @transform_0(%arg0: i32) -> (i32, i32) {
    %c0_i32 = arith.constant 0 : i32
    %c0_i32_0 = arith.constant 0 : i32
    return %arg0, %c0_i32 : i32, i32
  }
  func.func @transform_1(%arg0: i32) -> (i32, i32) {
    %c0_i32 = arith.constant 0 : i32
    %c0_i32_0 = arith.constant 0 : i32
    return %arg0, %c0_i32 : i32, i32
  }
  func.func @transform_2(%arg0: i32) -> (i32, i32) {
    %c0_i32 = arith.constant 0 : i32
    %c0_i32_0 = arith.constant 0 : i32
    return %arg0, %c0_i32 : i32, i32
  }
  func.func @transform_3(%arg0: i32) -> (i32, i32) {
    %c0_i32 = arith.constant 0 : i32
    %c0_i32_0 = arith.constant 0 : i32
    %c0_i32_1 = arith.constant 0 : i32
    return %c0_i32, %c0_i32_0 : i32, i32
  }
  func.func @transform_4(%arg0: i32) -> (i32, i32) {
    %c0_i32 = arith.constant 0 : i32
    %c0_i32_0 = arith.constant 0 : i32
    %c0_i32_1 = arith.constant 0 : i32
    return %c0_i32, %c0_i32_0 : i32, i32
  }
  func.func @transform_5(%arg0: i32) -> (i32, i32) {
    %c0_i32 = arith.constant 0 : i32
    %c0_i32_0 = arith.constant 0 : i32
    %c0_i32_1 = arith.constant 0 : i32
    return %c0_i32, %c0_i32_0 : i32, i32
  }
  func.func @transform_6(%arg0: i32) -> (i32, i32) {
    %c0_i32 = arith.constant 0 : i32
    %c0_i32_0 = arith.constant 0 : i32
    %c0_i32_1 = arith.constant 0 : i32
    return %c0_i32, %c0_i32_0 : i32, i32
  }
  func.func @transform_7(%arg0: i32) -> (i32, i32) {
    %c0_i32 = arith.constant 0 : i32
    %c0_i32_0 = arith.constant 0 : i32
    %c0_i32_1 = arith.constant 0 : i32
    return %c0_i32, %c0_i32_0 : i32, i32
  }
  func.func @transform_8(%arg0: i32) -> (i32, i32) {
    %c0_i32 = arith.constant 0 : i32
    %c0_i32_0 = arith.constant 0 : i32
    %c0_i32_1 = arith.constant 0 : i32
    return %c0_i32, %c0_i32_0 : i32, i32
  }
  func.func @transform_9(%arg0: i32) -> (i32, i32) {
    %c0_i32 = arith.constant 0 : i32
    %c0_i32_0 = arith.constant 0 : i32
    %c0_i32_1 = arith.constant 0 : i32
    return %c0_i32, %c0_i32_0 : i32, i32
  }
  func.func @transform_10(%arg0: i32) -> (i32, i32) {
    %c0_i32 = arith.constant 0 : i32
    %c0_i32_0 = arith.constant 0 : i32
    return %arg0, %c0_i32 : i32, i32
  }
}

</mosaic_0001>

<sc_bundles>
// kernel: kernel.6.cloned.1.call-start
scs
__scs_entry_jumppad:
0x0: {  	(pc) =	sbr.rel $0x88, $3  }
0x1: {  	(tag) =	ssettag $0x0;
	lr =	simm.s32 $0x1  }
0x2: {  	[smem:$0x3F96] =	sst lr;
	_ =	strace $0xD0000000  }
0x3: {  	_ = 	snop  }
0x4: {  	_ = 	snop  }
0x5: {  	_ = 	snop  }
0x6: {  	_ = 	snop  }
0x7: {  	_ = 	snop  }
__scs_overlays_trampoline_lowered:
0x8: {  	[smem:$0x3FA5] =	sst s0  }
0x9: {  	[smem:$0x3FA6] =	sst s1  }
0xa: {  	[smem:$0x3FA7] =	sst s2  }
0xb: {  	[smem:$0x3FA8] =	sst s3  }
0xc: {  	[smem:$0x3FA9] =	sst s4  }
0xd: {  	[smem:$0x3FAA] =	sst s5  }
0xe: {  	[smem:$0x3FAB] =	sst s6  }
0xf: {  	[smem:$0x3FAC] =	sst s7  }
0x10: {  	[smem:$0x3FAD] =	sst s8  }
0x11: {  	[smem:$0x3FAE] =	sst s9;
	s0 =	simm.s32 @!p0 $0x0  }
0x12: {  	s1 =	sld [smem:$0x3F94];
	s0 =	simm.s32 @p0 $0x1  }
0x13: {  	[smem:$0x3FAF] =	sst s0;
	s0 =	simm.s32 @!p1 $0x0  }
0x14: {  	s2 =	sld [smem:$0x3F93];
	s0 =	simm.s32 @p1 $0x1  }
0x15: {  	[smem:$0x3FB0] =	sst s0;
	s0 =	simm.s32 @!p2 $0x0  }
0x16: {  	s3 =	sld [smem:$0x3FDB];
	s0 =	simm.s32 @p2 $0x1  }
0x17: {  	s4 =	simm.s32 $0x1BF5;
	[smem:$0x3FB2] =	sst s0  }
0x18: {  	s0 =	sld [smem:$0x3F95];
	_ =	swait.ge [sflag:s4], $0x0  }
0x19: {  	s7 =	sld [smem:$0x3F96]  }
0x1a: {  	s8 =	sadd.s32 $0xFFFFE003, lr  }
0x1b: {  	s9 =	sadd.s32 $0xFFFFFEF7, lr;
	s5 =	simm.s32 $0xFFFFFFFF;
	p2 =	slt.u32 s8, $0xFFFFF086  }
0x1c: {  	p1 =	slt.u32 s9, $0xF7A;
	s5 =	simm.s32 @!p2 $0x0  }
0x1d: {  	s5 =	simm.s32 @p1 $0x1;
	p0 =	seq.s32 s7, s2  }
0x1e: {  	s7 =	smul.u32 @!p0 $0xF7A, s2;
	p2 =	seq.s32 @!p0 s5, $0x0  }
0x1f: {  	s9 =	smul.u32 $0xF7A, s1;
	s8 =	simm.s32 @!p0 $0x1BF5;
	p2 =	por !p2, p0  }
0x20: {  	[sflag:s8] =	ssyncset.s32 @!p0 $0xFFFFF086;
	s6 =	sadd.s32 @!p0 s3, s7;
	s7 =	simm.s32 @!p0 $0x108  }
0x21: {  	s3 =	sadd.s32 s3, s9;
	s6 =	sadd.s32 @!p0 $0x88, s6;
	s7 =	simm.s32 @p2 $0x1082  }
0x22: {  	[simem:s7], [sflag:s8] =	dma.local @!p0 [hbm:s6], $0xF7A  }
0x23: {  	s9 =	sor.u32 $0xD0000000, s2;
	s6 =	simm.s32 $0x108;
	_ =	swait.ge @!p0 [sflag:s8], $0x0  }
0x24: {  	s3 =	sadd.s32 $0x88, s3;
	s6 =	simm.s32 @!p1 $0x1082;
	[sflag:s4] =	ssyncset.s32 $0xFFFFF086  }
0x25: {  	[simem:s6], [sflag:s4] =	dma.local [hbm:s3], $0xF7A  }
0x26: {  	[smem:$0x3F96] =	sst s1;
	(tag) =	ssettag s2;
	_ =	strace s9  }
0x27: {  	s1 =	sld [smem:$0x3FA6]  }
0x28: {  	s2 =	sld [smem:$0x3FA7]  }
0x29: {  	s4 =	sld [smem:$0x3FA9]  }
0x2a: {  	p0 =	seq.s32 s5, $0x0;
	s5 =	sld [smem:$0x3FAA]  }
0x2b: {  	s6 =	sld [smem:$0x3FAB]  }
0x2c: {  	s7 =	sld [smem:$0x3FAC]  }
0x2d: {  	s3 =	simm.s32 $0x108;
	s8 =	sld [smem:$0x3FAD]  }
0x2e: {  	s3 =	simm.s32 @!p0 $0x1082;
	s9 =	sld [smem:$0x3FAE]  }
0x2f: {  	lr =	sadd.s32 s0, s3;
	s0 =	sld [smem:$0x3FA5]  }
0x30: {  	s3 =	sld [smem:$0x3FA8]  }
0x31: {  	[smem:$0x3FB1] =	sst s10  }
0x32: {  	s10 =	sld [smem:$0x3FAF];
	_ =	sdelay $0x3  }
0x33: {  	p0 =	seq.s32 s10, $0x1;
	s10 =	sld [smem:$0x3FB1];
	_ =	sdelay $0x3  }
0x34: {  	[smem:$0x3FB1] =	sst s10  }
0x35: {  	s10 =	sld [smem:$0x3FB0];
	_ =	sdelay $0x3  }
0x36: {  	p1 =	seq.s32 s10, $0x1;
	s10 =	sld [smem:$0x3FB1];
	_ =	sdelay $0x3  }
0x37: {  	[smem:$0x3FB1] =	sst s10  }
0x38: {  	s10 =	sld [smem:$0x3FB2]  }
0x39: {  	_ = 	snop;
	(pc) =	sbr.ind lr, $3  }
0x3a: {  	_ = 	snop  }
0x3b: {  	_ = 	snop  }
0x3c: {  	p2 =	seq.s32 s10, $0x1;
	s10 =	sld [smem:$0x3FB1]  }
0x3d: {  	_ =	shalt  }
0x3e: {  	_ =	shalt  }
0x3f: {  	_ =	shalt  }
0x40: {  	_ =	shalt  }
0x41: {  	_ =	shalt  }
0x42: {  	_ =	shalt  }
0x43: {  	_ =	shalt  }
0x44: {  	_ =	shalt  }
0x45: {  	_ =	shalt  }
0x46: {  	_ =	shalt  }
0x47: {  	_ =	shalt  }
0x48: {  	_ =	shalt  }
0x49: {  	_ =	shalt  }
0x4a: {  	_ =	shalt  }
0x4b: {  	_ =	shalt  }
0x4c: {  	_ =	shalt  }
0x4d: {  	_ =	shalt  }
0x4e: {  	_ =	shalt  }
0x4f: {  	_ =	shalt  }
0x50: {  	_ =	shalt  }
0x51: {  	_ =	shalt  }
0x52: {  	_ =	shalt  }
0x53: {  	_ =	shalt  }
0x54: {  	_ =	shalt  }
0x55: {  	_ =	shalt  }
0x56: {  	_ =	shalt  }
0x57: {  	_ =	shalt  }
0x58: {  	_ =	shalt  }
0x59: {  	_ =	shalt  }
0x5a: {  	_ =	shalt  }
0x5b: {  	_ =	shalt  }
0x5c: {  	_ =	shalt  }
0x5d: {  	_ =	shalt  }
0x5e: {  	_ =	shalt  }
0x5f: {  	_ =	shalt  }
0x60: {  	_ =	shalt  }
0x61: {  	_ =	shalt  }
0x62: {  	_ =	shalt  }
0x63: {  	_ =	shalt  }
0x64: {  	_ =	shalt  }
0x65: {  	_ =	shalt  }
0x66: {  	_ =	shalt  }
0x67: {  	_ =	shalt  }
0x68: {  	_ =	shalt  }
0x69: {  	_ =	shalt  }
0x6a: {  	_ =	shalt  }
0x6b: {  	_ =	shalt  }
0x6c: {  	_ =	shalt  }
0x6d: {  	_ =	shalt  }
0x6e: {  	_ =	shalt  }
0x6f: {  	_ =	shalt  }
0x70: {  	_ =	shalt  }
0x71: {  	_ =	shalt  }
0x72: {  	_ =	shalt  }
0x73: {  	_ =	shalt  }
0x74: {  	_ =	shalt  }
0x75: {  	_ =	shalt  }
0x76: {  	_ =	shalt  }
0x77: {  	_ =	shalt  }
0x78: {  	_ =	shalt  }
0x79: {  	_ =	shalt  }
0x7a: {  	_ =	shalt  }
0x7b: {  	_ =	shalt  }
0x7c: {  	_ =	shalt  }
0x7d: {  	_ =	shalt  }
0x7e: {  	_ =	shalt  }
0x7f: {  	_ =	shalt  }
0x80: {  	_ =	shalt  }
0x81: {  	_ =	shalt  }
0x82: {  	_ =	shalt  }
0x83: {  	_ =	shalt  }
0x84: {  	_ =	shalt  }
0x85: {  	_ =	shalt  }
0x86: {  	_ =	shalt  }
0x87: {  	_ =	shalt  }
.Lfunc_end0:
.L_simem_size_0:
called_computation_lowered:
.L_overlay_start_0:
0x88: {  	s0 =	sld [smem:$0x3FD9]  }
0x89: {  	s1 =	sld [smem:$0x3FFE];
	_ =	sdelay $0x3  }
0x8a: {  	s0 =	sadd.s32 s1, s0  }
0x8b: {  	[smem:$0x3FBD] =	sst s0  }
0x8c: {  	_ = 	snop  }
0x8d: {  	s0 =	sld [smem:$0x3FD0];
	(tm) =	ssettm $0x1  }
0x8e: {  	s16 =	sld [smem:$0x3FFB];
	_ =	sdelay $0x3  }
0x8f: {  	_ =	strace s16  }
0x90: {  	s1 =	sld [smem:$0x3FFC];
	_ =	sdelay $0x3  }
0x91: {  	_ =	strace s1  }
0x92: {  	s1 =	sld [smem:$0x3FFD];
	_ =	sdelay $0x3  }
0x93: {  	_ =	strace s1  }
0x94: {  	_ =	strace $0x8FFFFFFF  }
0x95: {  	s17 =	sld [smem:$0x3FDB];
	_ =	sdelay $0x1  }
0x96: {  	s2 =	simm.s32 $_scs_section_size  }
0x97: {  	s3 =	simm.s32 $_size__tile_overlayer_lowered;
	s4 =	simm.s32 $_tile_overlayer_lowered  }
0x98: {  	s20 =	simm.s32 $0x1BFF;
	s19 =	sshll.u32 s4, $0x1;
	s1 =	sadd.s32 s2, s17  }
0x99: {  	s5 =	simm.s32 $0x0;
	s18 =	sshll.u32 s3, $0x1;
	s3 =	sadd.s32 s19, s1  }
0x9a: {  	[timem:s5], [sflag:s20] =	dma.local [hbm:s3], s18  }
0x9b: {  	_ =	swait.ge [sflag:s20], s18  }
0x9c: {  	s2 =	ssub.s32 $0x0, s18;
	[sflag:s20] =	ssyncset.done $0x0  }
0x9d: {  	[sflag:s20] =	ssyncadd.s32 s2;
	_ =	sdelay $0x1  }
0x9e: {  	s21 =	simm.s32 $0x1B8B  }
0x9f: {  	_ =	swait.ge [sflag:s21], $0x1  }
0xa0: {  	[sflag:s21] =	ssyncset.done $0x0  }
0xa1: {  	s23 =	simm.s32 $0x1B8E;
	s22 =	sld [smem:$0x3FFE];
	[sflag:s21] =	ssyncadd.s32 $0xFFFFFFFF  }
0xa2: {  	s24 =	simm.s32 $execute0_lowered;
	[smem:$0x3FD2] =	sst s23  }
0xa3: {  	s3 =	sshll.u32 s24, $0x1;
	_ =	strace $0x80000046;
	[dreg:$0x1] =	wrdreg $0xFFFFFFFF  }
0xa4: {  	s25 =	simm.s32 $_size_execute0_lowered;
	s1 =	sadd.s32 s1, s3;
	[dreg:$0x0] =	wrdreg $0x0  }
0xa5: {  	s3 =	sshll.u32 s25, $0x1;
	[dreg:$0x2] =	wrdreg s1  }
0xa6: {  	[dreg:$0x3] =	wrdreg s3  }
0xa7: {  	[dreg:$0x4] =	wrdreg $0xC0  }
0xa8: {  	_ =	task [dreg:s5], $0x5FFFF  }
0xa9: {  	[dreg:$0x1] =	wrdreg $0xFFFFFFFF  }
0xaa: {  	[dreg:$0x0] =	wrdreg $0x60  }
0xab: {  	[dreg:$0x2] =	wrdreg s0  }
0xac: {  	[dreg:$0x3] =	wrdreg s22  }
0xad: {  	[dreg:$0x4] =	wrdreg $0x7C000  }
0xae: {  	[dreg:$0x5] =	wrdreg $0x1B4800  }
0xaf: {  	[dreg:$0x6] =	wrdreg $0x9  }
0xb0: {  	_ =	task.clear_ibuf [dreg:s5], $0x7FFFF;
	_ =	strace $0x90000046  }
0xb1: {  	s26 =	simm.s32 $0x9;
	_ =	strace $0x80000048  }
0xb2: {  	_ =	swait.ge [sflag:s26], $0x1  }
0xb3: {  	[sflag:s26] =	ssyncadd.s32 $0xFFFFFFFF  }
0xb4: {  	_ =	strace $0x90000048  }
0xb5: {  	_ =	sfence  }
0xb6: {  	s28 =	sld [smem:$0x0];
	_ =	sdelay $0x1  }
0xb7: {  	s29 =	srdreg.scid  }
0xb8: {  	s30 =	sshll.u32 s29, $0xD;
	s31 =	sshrl.u32 s29, $0x2  }
0xb9: {  	s2 =	sand.u32 $0x4000, s30;
	s1 =	sand.u32 $0x1, s29;
	s0 =	sadd.s32 s31, s28  }
0xba: {  	s1 =	sor.u32 s2, s1;
	s0 =	sshll.u32 s0, $0x11  }
0xbb: {  	s0 =	sor.u32 s0, s1  }
0xbc: {  	s0 =	sadd.s32 $0x8F2B, s0  }
0xbd: {  	[sflag:s0] =	ssyncadd.remote.s32 $0x1  }
0xbe: {  	_ =	sfence.sel $0xFFFF  }
0xbf: {  	[dreg:$0x0] =	wrdreg $0xFFFFFFFF;
	(pc) =	sbr.abs _section_cstart, $3  }
0xc0: {  	[dreg:$0x1] =	wrdreg $0xFFFFFFFF  }
0xc1: {  	_ =	task.clear_ibuf [dreg:s5], $0x2FFFF;
	_ =	strace $0x9FFFFFFF  }
0xc2: {  	(tm) =	ssettm $0x7FFFFFFF  }
0xc3: {  	_ =	shalt  }
tec
execute0_lowered:
.L_overlay_start_1:
0x0: {  	(tag) =	ssettag $0x1  }
0x1: {  	s2 =	rddreg [dreg:$0x0]  }
0x2: {  	s0 =	rddreg [dreg:$0x1]  }
0x3: {  	s3 =	rddreg [dreg:$0x2]  }
0x4: {  	s4 =	rddreg [dreg:$0x3];
	s5 =	simm.s32 $0x0  }
0x5: {  	s6 =	simm.s32 $0x7900;
	s8 =	simm.s32 $0x4;
	[smem:$0x7FF] =	sst s5  }
0x6: {  	s12 =	simm.s32 $0x7980;
	s1 =	sadd.s32 $0x5000, s0;
	_ =	strace $0x80000047  }
0x7: {  	[tilespmem:s6], [sflag:$0x4] =	stream.linear.gather [hbm4b:s1+s5], $0x80, $0x38;
	[tilespmem:$0x1B6F8] =	vst v63  }
0x8: {  	s22 =	simm.s32 $0x80;
	s23 =	simm.s32 $0x50;
	_ =	swait.ge [sflag:s8], $0x80  }
0x9: {  	s28 =	simm.s32 $0x1;
	s1 =	stileid.u32;
	[sflag:s8] =	ssyncset.done $0x0  }
0xa: {  	s7 =	sadd.s32 $0x4E00, s0;
	s9 =	smul.u32 $0x4E000, s1;
	[sflag:s8] =	ssyncadd.s32 $0xFFFFFF80  }
0xb: {  	[tilespmem:s12], [sflag:$0x4] =	stream.linear.gather [hbm4b:s7+s5], $0x280, $0x38;
	[tilespmem:$0x1B6F8] =	vst v63  }
0xc: {  	s13 =	sadd.s32 $0x2600, s0;
	s24 =	sshrl.u32 s9, $0x2;
	_ =	swait.ge [sflag:s8], $0x280  }
0xd: {  	s25 =	sshll.u32 s1, $0x6;
	s9 =	sadd.s32 s24, s3;
	[sflag:s8] =	ssyncset.done $0x0  }
0xe: {  	s7 =	sor.u32 $0x1C04, s25;
	s11 =	sshrl.u32 s9, $0x3;
	[sflag:s8] =	ssyncadd.s32 $0xFFFFFD80  }
0xf: {  	[spmem:s11], [sflag:s7] =	dma.local [hbm:s13], $0x2700  }
0x10: {  	s29 =	simm.s32 $0x2;
	s17 =	smul.u32 $0x270, s1;
	_ =	swait.ge [sflag:s8], $0x2700  }
0x11: {  	s30 =	simm.s32 $0x3;
	s14 =	sadd.s32 $0x4F8200, s0;
	[sflag:s8] =	ssyncset.done $0x0  }
0x12: {  	s15 =	sadd.s32 $0x51F400, s0;
	s10 =	sadd.s32 s17, s4;
	[sflag:s8] =	ssyncadd.s32 $0xFFFFD900  }
0x13: {  	[spmem:s10] =	stream.linear.scatter [tilespmem:s12], [sflag:$0x4], $0x270, $0x38;
	[tilespmem:$0x1B6F8] =	vst v63  }
0x14: {  	s31 =	simm.s32 $0x0;
	s16 =	sadd.s32 $0x4EE400, s0;
	_ =	swait.ge [sflag:s8], $0x270  }
0x15: {  	p0 =	sne.s32 s1, $0xF;
	s9 =	sadd.s32 $0x138000, s3;
	[sflag:s8] =	ssyncset.done $0x0  }
0x16: {  	s18 =	sadd.s32 $0x4E4600, s0;
	s9 =	sshrl.u32 @!p0 s9, $0x3;
	[sflag:s8] =	ssyncadd.s32 $0xFFFFFD90  }
0x17: {  	[spmem:s9], [sflag:s7] =	dma.local @!p0 [hbm:s13], $0x100  }
0x18: {  	s26 =	sadd.s32 $0x2C800, s0;
	s19 =	smul.u32 $0x2700, s1;
	s13 =	simm.s32 @!p0 $0x4  }
0x19: {  	s21 =	smul.u32 $0x4E20, s1;
	s20 =	simm.s32 @!p0 $0x7980;
	_ =	swait.ge @!p0 [sflag:s13], $0x100  }
0x1a: {  	s19 =	sadd.s32 s19, s0;
	s17 =	sshrl.u32 s17, $0x3;
	[sflag:s13] =	ssyncset.done @!p0 $0x0  }
0x1b: {  	s17 =	sadd.s32 s17, s0;
	s12 =	sadd.s32 $0x2700, s4;
	[sflag:s13] =	ssyncadd.s32 @!p0 $0xFFFFFF00  }
0x1c: {  	[spmem:s12] =	stream.linear.scatter @!p0 [tilespmem:s20], [sflag:$0x4], $0x10, $0x38;
	[tilespmem:$0x1B6F8] =	vst v63  }
0x1d: {  	s0 =	sadd.s32 $0x56E0, s0;
	s24 =	simm.s32 $0x100;
	_ =	swait.ge @!p0 [sflag:s13], $0x10  }
0x1e: {  	s25 =	simm.s32 $0x2900;
	[dreg:$0x6] =	wrdreg s26;
	[sflag:s13] =	ssyncset.done @!p0 $0x0  }
0x1f: {  	s20 =	sadd.s32 $0x5800, s19;
	[dreg:$0x5] =	wrdreg s0;
	[sflag:s13] =	ssyncadd.s32 @!p0 $0xFFFFFFF0  }
0x20: {  	s19 =	sadd.s32 $0x5200, s17;
	s26 =	simm.s32 $0x5100;
	[bflag:$0x0] =	sbarrier.arrive $0xFFFF  }
.LBB2_1:
0x21: {  	s0 =	smul.u32 $0x50, s31;
	_ =	sdelay $0x1  }
0x22: {  	s0 =	sadd.s32 s21, s0  }
0x23: {  	s13 =	sshrl.u32 s0, $0x3  }
0x24: {  	s17 =	sadd.s32 s16, s13  }
0x25: {  	[tilespmem:s5], [sflag:$0x4] =	stream.linear.gather [hbm4b:s17+s5], $0x50, $0x38;
	[tilespmem:$0x1B6F8] =	vst v63  }
0x26: {  	_ =	swait.ge [sflag:s8], $0x50  }
0x27: {  	[sflag:s8] =	ssyncset.done $0x0  }
0x28: {  	s13 =	sadd.s32 s18, s13;
	[sflag:s8] =	ssyncadd.s32 $0xFFFFFFB0  }
0x29: {  	[tilespmem:s22], [sflag:$0x4] =	stream.linear.gather [hbm4b:s13+s5], $0x50, $0x38;
	[tilespmem:$0x1B6F8] =	vst v63  }
0x2a: {  	_ =	swait.ge [sflag:s8], $0x50  }
0x2b: {  	[sflag:s8] =	ssyncset.done $0x0  }
0x2c: {  	[sflag:s8] =	ssyncadd.s32 $0xFFFFFFB0  }
0x2d: {  	[tilespmem:s24], [sflag:$0x1] =	stream.indirect.gather [hbm4b:s2+s23], $0x80, s5, s23, $0xb8;
	[tilespmem:$0x1B6F8] =	vst v63  }
0x2e: {  	s0 =	sshll.u32 s0, $0x4  }
0x2f: {  	[tilespmem:s25], [sflag:$0x2] =	stream.indirect.gather [hbm4b:s14+s23], $0x80, s22, s23, $0xb8;
	[tilespmem:$0x1B6F8] =	vst v63  }
0x30: {  	s0 =	sadd.s32 s15, s0  }
0x31: {  	[tilespmem:s26], [sflag:$0x3] =	stream.linear.gather [hbm4b:s0+s5], $0x2800, $0x38;
	[tilespmem:$0x1B6F8] =	vst v63  }
0x32: {  	_ =	swait.ge [sflag:s28], $0x2800  }
0x33: {  	[sflag:s28] =	ssyncset.done $0x0  }
0x34: {  	[sflag:s28] =	ssyncadd.s32 $0xFFFFD800  }
0x35: {  	_ =	swait.ge [sflag:s29], $0x2800  }
0x36: {  	[sflag:s29] =	ssyncset.done $0x0  }
0x37: {  	[sflag:s29] =	ssyncadd.s32 $0xFFFFD800  }
0x38: {  	_ =	swait.ge [sflag:s30], $0x2800  }
0x39: {  	[sflag:s30] =	ssyncset.done $0x0  }
0x3a: {  	s0 =	simm.s32 $0x0;
	[sflag:s30] =	ssyncadd.s32 $0xFFFFD800  }
0x3b: {  	v4 =	vld [tilespmem:s0+$0x5100]  }
0x3c: {  	v5 =	vld [tilespmem:s0+$0x5110]  }
0x3d: {  	v3 =	vld [tilespmem:s0+$0x5120]  }
0x3e: {  	v2 =	vld [tilespmem:s0+$0x5130]  }
0x3f: {  	v1 =	vld [tilespmem:s0+$0x5140]  }
0x40: {  	v0 =	vld [tilespmem:s0+$0x5150]  }
0x41: {  	v12 =	vld [tilespmem:s0+$0x2900]  }
0x42: {  	v17 =	vld [tilespmem:s0+$0x2910]  }
0x43: {  	v11 =	vld [tilespmem:s0+$0x2920]  }
0x44: {  	v10 =	vld [tilespmem:s0+$0x2930]  }
0x45: {  	v9 =	vld [tilespmem:s0+$0x2940]  }
0x46: {  	v8 =	vld [tilespmem:s0+$0x2950]  }
0x47: {  	v7 =	vld [tilespmem:s0+$0x2960]  }
0x48: {  	v6 =	vld [tilespmem:s0+$0x2970]  }
0x49: {  	v18 =	vld [tilespmem:s0+$0x100]  }
0x4a: {  	v19 =	vld [tilespmem:s0+$0x110]  }
0x4b: {  	v16 =	vld [tilespmem:s0+$0x120]  }
0x4c: {  	v15 =	vld [tilespmem:s0+$0x130]  }
0x4d: {  	v14 =	vld [tilespmem:s0+$0x140]  }
0x4e: {  	v13 =	vld [tilespmem:s0+$0x150];
	v18 =	vadd.f32 v12, v18  }
0x4f: {  	s13 =	simm.s32 $0x200;
	v17 =	vadd.f32 v17, v19;
	v12 =	vld [tilespmem:s0+$0x160]  }
.LBB2_2:
0x50: {  	p1 =	sne.s32 s13, $0x9E00;
	v4 =	vadd.f32 v4, v18;
	v11 =	vadd.f32 v11, v16;
	v16 =	vld [tilespmem:s0+$0x170]  }
0x51: {  	v5 =	vadd.f32 v5, v17;
	v10 =	vadd.f32 v10, v15;
	v15 =	vld [tilespmem:s0+$0x5160]  }
0x52: {  	s17 =	sshra.s32 s13, $0x2;
	v17 =	vmax.f32 v4, $0.0e+00;
	v3 =	vadd.f32 v3, v11;
	v9 =	vadd.f32 v9, v14;
	v11 =	vld [tilespmem:s0+$0x5170]  }
0x53: {  	v4 =	vld [tilespmem:s17+$0x5100];
	[tilespmem:s0+$0x100] =	vst v17;
	v14 =	vmax.f32 v5, $0.0e+00;
	v2 =	vadd.f32 v2, v10;
	v8 =	vadd.f32 v8, v13  }
0x54: {  	v5 =	vld [tilespmem:s17+$0x5110];
	[tilespmem:s0+$0x110] =	vst v14;
	v10 =	vmax.f32 v3, $0.0e+00;
	v1 =	vadd.f32 v1, v9;
	v7 =	vadd.f32 v7, v12  }
0x55: {  	v3 =	vld [tilespmem:s17+$0x5120];
	[tilespmem:s0+$0x120] =	vst v10;
	v9 =	vmax.f32 v2, $0.0e+00;
	v0 =	vadd.f32 v0, v8;
	v6 =	vadd.f32 v6, v16  }
0x56: {  	v2 =	vld [tilespmem:s17+$0x5130];
	[tilespmem:s0+$0x130] =	vst v9;
	v8 =	vmax.f32 v1, $0.0e+00;
	v7 =	vadd.f32 v15, v7  }
0x57: {  	v1 =	vld [tilespmem:s17+$0x5140];
	[tilespmem:s0+$0x140] =	vst v8;
	v8 =	vmax.f32 v0, $0.0e+00;
	v6 =	vadd.f32 v11, v6  }
0x58: {  	v0 =	vld [tilespmem:s17+$0x5150];
	[tilespmem:s0+$0x150] =	vst v8;
	v7 =	vmax.f32 v7, $0.0e+00  }
0x59: {  	v12 =	vld [tilespmem:s17+$0x2900];
	[tilespmem:s0+$0x160] =	vst v7;
	v6 =	vmax.f32 v6, $0.0e+00  }
0x5a: {  	v17 =	vld [tilespmem:s17+$0x2910];
	[tilespmem:s0+$0x170] =	vst v6;
	s0 =	smov.u32 s17  }
0x5b: {  	v11 =	vld [tilespmem:s0+$0x2920]  }
0x5c: {  	v10 =	vld [tilespmem:s0+$0x2930]  }
0x5d: {  	v9 =	vld [tilespmem:s0+$0x2940]  }
0x5e: {  	v8 =	vld [tilespmem:s0+$0x2950]  }
0x5f: {  	v7 =	vld [tilespmem:s0+$0x2960]  }
0x60: {  	v6 =	vld [tilespmem:s0+$0x2970]  }
0x61: {  	v13 =	vld [tilespmem:s0+$0x100]  }
0x62: {  	v19 =	vld [tilespmem:s0+$0x110]  }
.Ltmp0:
0x63: {  	v16 =	vld [tilespmem:s0+$0x120];
	(pc) =	sbr.rel @p1 .LBB2_2-.Ltmp0, $4  }
0x64: {  	v15 =	vld [tilespmem:s0+$0x130]  }
0x65: {  	v14 =	vld [tilespmem:s0+$0x140]  }
0x66: {  	v18 =	vadd.f32 v12, v13;
	v13 =	vld [tilespmem:s0+$0x150]  }
0x67: {  	s13 =	sadd.s32 $0x200, s13;
	v17 =	vadd.f32 v17, v19;
	v12 =	vld [tilespmem:s0+$0x160]  }
0x68: {  	v4 =	vadd.f32 v4, v18;
	v11 =	vadd.f32 v11, v16;
	v53 =	vld [tilespmem:s0+$0x170]  }
0x69: {  	v54 =	vld [tilespmem:s0+$0x5160];
	v5 =	vadd.f32 v5, v17;
	v10 =	vadd.f32 v10, v15  }
0x6a: {  	v55 =	vld [tilespmem:s0+$0x5170];
	v4 =	vmax.f32 v4, $0.0e+00;
	v3 =	vadd.f32 v3, v11;
	v9 =	vadd.f32 v9, v14  }
0x6b: {  	[tilespmem:s0+$0x100] =	vst v4;
	v56 =	vmax.f32 v5, $0.0e+00;
	v2 =	vadd.f32 v2, v10;
	v57 =	vadd.f32 v8, v13  }
0x6c: {  	[tilespmem:s0+$0x110] =	vst v56;
	v3 =	vmax.f32 v3, $0.0e+00;
	v1 =	vadd.f32 v1, v9;
	v58 =	vadd.f32 v7, v12  }
0x6d: {  	[tilespmem:s0+$0x120] =	vst v3;
	v2 =	vmax.f32 v2, $0.0e+00;
	v0 =	vadd.f32 v0, v57;
	v59 =	vadd.f32 v6, v53  }
0x6e: {  	[tilespmem:s0+$0x130] =	vst v2;
	v1 =	vmax.f32 v1, $0.0e+00;
	v60 =	vadd.f32 v54, v58  }
0x6f: {  	[tilespmem:s0+$0x140] =	vst v1;
	v0 =	vmax.f32 v0, $0.0e+00;
	v61 =	vadd.f32 v55, v59  }
0x70: {  	[tilespmem:s0+$0x150] =	vst v0;
	v62 =	vmax.f32 v60, $0.0e+00  }
0x71: {  	[tilespmem:s0+$0x160] =	vst v62;
	v63 =	vmax.f32 v61, $0.0e+00  }
0x72: {  	[tilespmem:s0+$0x170] =	vst v63  }
0x73: {  	[spmem:s3] =	stream.indirect.scatter.add.f32 [tilespmem:s24], [sflag:$0x4], $0x80, s22, s23, $0xb8;
	[tilespmem:$0x1B6F8] =	vst v63  }
0x74: {  	s31 =	sadd.s32 $0x1, s31;
	_ =	swait.ge [sflag:s8], $0x2800  }
0x75: {  	p1 =	sne.s32 s31, $0xFA;
	[sflag:s8] =	ssyncset.done $0x0  }
.Ltmp1:
0x76: {  	[sflag:s8] =	ssyncadd.s32 $0xFFFFD800;
	(pc) =	sbr.rel @p1 .LBB2_1-.Ltmp1, $4  }
0x77: {  	[spmem:s4] =	stream.indirect.scatter.add.f32 [tilespmem:s6], [sflag:$0x4], $0x1, s22, s23, $0xb8;
	[tilespmem:$0x1B6F8] =	vst v63  }
0x78: {  	_ =	swait.ge [sflag:s8], $0x50  }
0x79: {  	[sflag:s8] =	ssyncset.done $0x0  }
0x7a: {  	[sflag:s8] =	ssyncadd.s32 $0xFFFFFFB0  }
0x7b: {  	[bflag:$0x0] =	sbarrier.arrive $0xFFFF;
	s0 =	simm.s32 $0x4  }
0x7c: {  	[hbm:s20], [sflag:s7] =	dma.local [spmem:s11], $0x2700  }
0x7d: {  	_ =	swait.ge [sflag:s0], $0x2700  }
0x7e: {  	[sflag:s0] =	ssyncset.done $0x0  }
0x7f: {  	s2 =	simm.s32 $0x7980;
	[sflag:s0] =	ssyncadd.s32 $0xFFFFD900  }
0x80: {  	[tilespmem:s2], [sflag:$0x4] =	stream.linear.gather [spmem:s10], $0x270, $0x38;
	[tilespmem:$0x1B6F8] =	vst v63  }
0x81: {  	_ =	swait.ge [sflag:s0], $0x270  }
0x82: {  	[sflag:s0] =	ssyncset.done $0x0  }
0x83: {  	s3 =	simm.s32 $0x0;
	[sflag:s0] =	ssyncadd.s32 $0xFFFFFD90  }
0x84: {  	[hbm4b:s19+s3] =	stream.linear.scatter [tilespmem:s2], [sflag:$0x4], $0x270, $0x38;
	[tilespmem:$0x1B6F8] =	vst v63  }
0x85: {  	_ =	swait.ge [sflag:s0], $0x270  }
0x86: {  	[sflag:s0] =	ssyncset.done $0x0  }
0x87: {  	[sflag:s0] =	ssyncadd.s32 $0xFFFFFD90;
	s0 =	rddreg [dreg:$0x6]  }
0x88: {  	[hbm:s0], [sflag:s7] =	dma.local @!p0 [spmem:s9], $0x100  }
0x89: {  	s0 =	simm.s32 @!p0 $0x4  }
0x8a: {  	_ =	swait.ge @!p0 [sflag:s0], $0x100  }
0x8b: {  	[sflag:s0] =	ssyncset.done @!p0 $0x0  }
0x8c: {  	s2 =	simm.s32 @!p0 $0x7980;
	[sflag:s0] =	ssyncadd.s32 @!p0 $0xFFFFFF00  }
0x8d: {  	[tilespmem:s2], [sflag:$0x4] =	stream.linear.gather @!p0 [spmem:s12], $0x10, $0x38;
	[tilespmem:$0x1B6F8] =	vst v63  }
0x8e: {  	_ =	swait.ge @!p0 [sflag:s0], $0x10  }
0x8f: {  	[sflag:s0] =	ssyncset.done @!p0 $0x0  }
0x90: {  	s3 =	simm.s32 @!p0 $0x0;
	s4 =	rddreg [dreg:$0x5];
	[sflag:s0] =	ssyncadd.s32 @!p0 $0xFFFFFFF0  }
0x91: {  	[hbm4b:s4+s3] =	stream.linear.scatter @!p0 [tilespmem:s2], [sflag:$0x4], $0x10, $0x38;
	[tilespmem:$0x1B6F8] =	vst v63  }
0x92: {  	_ =	swait.ge @!p0 [sflag:s0], $0x10  }
0x93: {  	[sflag:s0] =	ssyncset.done @!p0 $0x0  }
0x94: {  	[sflag:s0] =	ssyncadd.s32 @!p0 $0xFFFFFFF0  }
0x95: {  	_ =	sfence.sel $0x180000  }
0x96: {  	[bflag:$0x0] =	sbarrier.arrive $0xFFFF  }
0x97: {  	_ =	strace $0x90000047  }
0x98: {  	[bflag:$0x2] =	sbarrier.arrive $0xFFFF  }
0x99: {  	p0 =	sne.s32 s1, $0x0;
	s0 =	rddreg [dreg:$0x4]  }
0x9a: {  	s0 =	sadd.s32 @!p0 $0x100000, s0  }
0x9b: {  	[sflag:s0] =	ssyncadd.tile.s32 @!p0 $0x1;
	_ =	shalt  }
.Lfunc_end2:
_tile_overlayer_lowered:
.L_overlay_start_2:
0x9c: {  	(tag) =	ssettag $0x2  }
0x9d: {  	s0 =	rddreg [dreg:$0x0];
	s2 =	stileid.u32  }
0x9e: {  	s1 =	rddreg [dreg:$0x1];
	p0 =	sne.s32 s2, $0x0  }
0x9f: {  	s3 =	rddreg [dreg:$0x2];
	[bflag:$0x3] =	sbarrier.arrive $0xFFFF;
	s2 =	simm.s32 @!p0 $0x1C04  }
0xa0: {  	[timem:s3], [sflag:s2] =	dma.local @!p0 [hbm:s0], s1  }
0xa1: {  	s0 =	simm.s32 @!p0 $0x4  }
0xa2: {  	_ =	swait.ge @!p0 [sflag:s0], s1  }
0xa3: {  	s1 =	ssub.s32 @!p0 $0x0, s1;
	[sflag:s0] =	ssyncset.done @!p0 $0x0  }
0xa4: {  	[sflag:s0] =	ssyncadd.s32 @!p0 s1  }
0xa5: {  	[bflag:$0x3] =	sbarrier.arrive $0xFFFF  }
0xa6: {  	_ =	shalt  }

</sc_bundles>
